<compile_context>
chip_gen: v7x
topology: tpu7x:2x2x1
jax: 0.10.2.dev20260603
libtpu: 0.0.44.dev20260713+nightly
codegen_flags: <defaults>
</compile_context>

<pallas_src>
import functools

import jax
import jax.numpy as jnp
from jax import lax
from jax.experimental import pallas as pl
from jax.experimental.pallas import tpu as pltpu
from jax.experimental.pallas import tpu_sc as plsc

_E = 16
_K = 2
_NC = 2
_NS = 16
_NW = _NC * _NS
_BM = 1024


def _logits_body(x_ref, w_ref, o_ref):
    o_ref[...] = lax.dot_general(
        x_ref[...], w_ref[...],
        (((1,), (1,)), ((), ())),
        preferred_element_type=jnp.float32,
    )


def _logits(x, W):
    T, N = x.shape
    return pl.pallas_call(
        _logits_body,
        grid=(T // _BM,),
        in_specs=[
            pl.BlockSpec((_BM, N), lambda i: (i, 0)),
            pl.BlockSpec((_E, N), lambda i: (0, 0)),
        ],
        out_specs=pl.BlockSpec((_BM, _E), lambda i: (i, 0)),
        out_shape=jax.ShapeDtypeStruct((T, _E), jnp.float32),
    )(x, W)


def _route_body(rw, logits_hbm, w_hbm, i_hbm, lg_v, w_v, i_v):
    wid = lax.axis_index("s") * _NC + lax.axis_index("c")
    base = wid * rw
    pltpu.sync_copy(logits_hbm.at[pl.ds(base, rw)], lg_v)
    iota = lax.iota(jnp.int32, 16)
    zeros = jnp.zeros((16,), jnp.float32)

    @plsc.parallel_loop(0, rw // 16, unroll=2)
    def tile(t):
        row = t * 16 + iota
        ls = [
            plsc.load_gather(lg_v, [row, jnp.full((16,), e, jnp.int32)])
            for e in range(_E)
        ]
        m = ls[0]
        for e in range(1, _E):
            m = jnp.maximum(m, ls[e])
        es = [jnp.exp(l - m) for l in ls]
        s = es[0]
        for e in range(1, _E):
            s = s + es[e]
        inv = 1.0 / s
        m1 = es[0] * inv
        i1 = jnp.zeros((16,), jnp.int32)
        m2 = jnp.full((16,), -1.0, jnp.float32)
        i2 = jnp.zeros((16,), jnp.int32)
        for e in range(1, _E):
            p = es[e] * inv
            gt1 = p > m1
            gt2 = p > m2
            i2 = jnp.where(gt1, i1, jnp.where(gt2, e, i2))
            m2 = jnp.where(gt1, m1, jnp.where(gt2, p, m2))
            i1 = jnp.where(gt1, e, i1)
            m1 = jnp.where(gt1, p, m1)
        for j in range(16):
            w_v[t * 16 + j, :] = zeros
        plsc.store_scatter(w_v, [row, i1], m1)
        plsc.store_scatter(w_v, [row, i2], m2)
        plsc.store_scatter(i_v, [row * _K], i1)
        plsc.store_scatter(i_v, [row * _K + 1], i2)

    pltpu.sync_copy(w_v, w_hbm.at[pl.ds(base, rw)])
    pltpu.sync_copy(i_v, i_hbm.at[pl.ds(base * _K, rw * _K)])


def _route(logits):
    T = logits.shape[0]
    rw = T // _NW
    mesh = plsc.VectorSubcoreMesh(core_axis_name="c", subcore_axis_name="s")
    weights, idx_flat = pl.kernel(
        functools.partial(_route_body, rw),
        out_type=[
            jax.ShapeDtypeStruct((T, _E), jnp.float32),
            jax.ShapeDtypeStruct((T * _K,), jnp.int32),
        ],
        mesh=mesh,
        compiler_params=pltpu.CompilerParams(
            needs_layout_passes=False, skip_device_barrier=True
        ),
        scratch_types=[
            pltpu.VMEM((rw, _E), jnp.float32),
            pltpu.VMEM((rw, _E), jnp.float32),
            pltpu.VMEM((rw * _K,), jnp.int32),
        ],
    )(logits)
    return weights, idx_flat.reshape(T, _K)


def kernel(x, W):
    logits = _logits(x, W)
    return _route(logits)

# --- scband reference (transcript-rebuilt; emitter-appended) ---
"""Pipeline reference for scband-top-kgate-25872882992016 (READ-ONLY COPY).

The authoritative reference and input builder live on the scoring server;
editing this copy changes nothing except your own understanding.
"""

import jax, jax.numpy as jnp
import numpy as np

N_EXPERTS = 16
TOP_K = 2
N_INPUT = 2048
T = 8192

def setup_inputs(seed: int = 0) -> dict:
    key = jax.random.key(seed)
    kx, kw = jax.random.split(key)
    x = jax.random.normal(kx, (T, N_INPUT), dtype=jnp.float32)
    # nn.Linear(n_input, n_experts, bias=False) weight: [n_experts, n_input]
    W = jax.random.normal(kw, (N_EXPERTS, N_INPUT), dtype=jnp.float32) * (1.0 / np.sqrt(N_INPUT))
    return {"x": x, "W": W}

def reference(x, W):
    logits = jax.nn.softmax(x @ W.T, axis=-1)
    top_k_weights, top_k_indices = jax.lax.top_k(logits, TOP_K)
    rows = jnp.arange(logits.shape[0])[:, None]
    weights = jnp.zeros_like(logits).at[rows, top_k_indices].set(top_k_weights)
    return (weights, top_k_indices)

if __name__ == "__main__":
    import jax
    _d = setup_inputs()
    print(jax.jit(kernel)(*tuple(_d.values())))

</pallas_src>

<mosaic_0001>
#map = affine_map<(d0, d1) -> (0, 0)>
#map1 = affine_map<(d0, d1) -> (0)>
module attributes {stable_mosaic.version = 14 : i64} {
  func.func @_route_body(%arg0: i32, %arg1: i32, %arg2: memref<8192x16xf32, #tpu.memory_space<hbm>>, %arg3: memref<8192x16xf32, #tpu.memory_space<hbm>>, %arg4: memref<16384xi32, #tpu.memory_space<hbm>>, %arg5: memref<256x16xf32, #tpu.memory_space<vmem>>, %arg6: memref<256x16xf32, #tpu.memory_space<vmem>>, %arg7: memref<512xi32, #tpu.memory_space<vmem>>) attributes {dimension_semantics = [#tpu.dimension_semantics<core_parallel>, #tpu.dimension_semantics<subcore_parallel>], iteration_bounds = array<i64: 2, 16>, scalar_prefetch = 0 : i64, scratch_operands = 3 : i64, tpu.core_type = #tpu.core_type<sc_vector_subcore>, window_params = [{transform_indices = #map}, {transform_indices = #map}, {transform_indices = #map1}]} {
    %mul3A = arith.constant 2 : i32
    %mul3A_0 = arith.muli %arg1, %mul3A : i32
    %add3A = arith.addi %mul3A_0, %arg0 : i32
    %mul3A_1 = arith.constant 256 : i32
    %mul3A_2 = arith.muli %add3A, %mul3A_1 : i32
    "tpu.region"() ({
      %run_scoped3A = tpu.sem_alloc : memref<!tpu.dma_semaphore, #tpu.memory_space<semaphore_mem>>
      %dma_start3A = arith.constant 0 : i32
      %dma_start3A_8 = tpu.memref_slice %arg2[%mul3A_2, %dma_start3A] : memref<8192x16xf32, #tpu.memory_space<hbm>> -> memref<256x16xf32, #tpu.memory_space<hbm>>
      %dma_start3A_9 = arith.constant 0 : i32
      %dma_start3A_10 = tpu.memref_slice %arg2[%mul3A_2, %dma_start3A_9] : memref<8192x16xf32, #tpu.memory_space<hbm>> -> memref<256x16xf32, #tpu.memory_space<hbm>>
      tpu.enqueue_dma source(%dma_start3A_10 : memref<256x16xf32, #tpu.memory_space<hbm>>) target(%arg5 : memref<256x16xf32, #tpu.memory_space<vmem>>) target_semaphore(%run_scoped3A : memref<!tpu.dma_semaphore, #tpu.memory_space<semaphore_mem>>)
      %dma_wait3A = arith.constant 0 : i32
      %dma_wait3A_11 = tpu.memref_slice %arg2[%mul3A_2, %dma_wait3A] : memref<8192x16xf32, #tpu.memory_space<hbm>> -> memref<256x16xf32, #tpu.memory_space<hbm>>
      %dma_wait3A_12 = arith.constant 0 : i32
      %dma_wait3A_13 = tpu.memref_slice %arg2[%mul3A_2, %dma_wait3A_12] : memref<8192x16xf32, #tpu.memory_space<hbm>> -> memref<256x16xf32, #tpu.memory_space<hbm>>
      tpu.wait_dma2 semaphore(%run_scoped3A : memref<!tpu.dma_semaphore, #tpu.memory_space<semaphore_mem>>) src(%dma_wait3A_13 : memref<256x16xf32, #tpu.memory_space<hbm>>) dst(%arg5 : memref<256x16xf32, #tpu.memory_space<vmem>>)
      tpu.yield
    }) : () -> ()
    %iota3A = tpu.iota {dimensions = array<i32: 0>} : vector<16xi32>
    %broadcast_in_dim3A = arith.constant 0.000000e+00 : f32
    %broadcast_in_dim3A_3 = vector.broadcast %broadcast_in_dim3A : f32 to vector<16xf32>
    %parallel_loop3A = arith.constant 0 : i32
    %parallel_loop3A_4 = arith.constant 16 : i32
    %parallel_loop3A_5 = arith.constant 1 : i32
    scf.for %parallel_loop3A_8 = %parallel_loop3A to %parallel_loop3A_4 step %parallel_loop3A_5  : i32 {
      %parallel_loop3A_9 = arith.constant 16 : i32
      %parallel_loop3A_10 = arith.muli %parallel_loop3A_8, %parallel_loop3A_9 : i32
      %parallel_loop3A_11 = vector.broadcast %parallel_loop3A_10 : i32 to vector<16xi32>
      %parallel_loop3A_12 = arith.addi %parallel_loop3A_11, %iota3A : vector<16xi32>
      %parallel_loop3A_13 = arith.constant 0 : i32
      %parallel_loop3A_14 = vector.broadcast %parallel_loop3A_13 : i32 to vector<16xi32>
      %parallel_loop3A_15 = tpu.vector_load_idx %arg5[%parallel_loop3A_12, %parallel_loop3A_14] : memref<256x16xf32, #tpu.memory_space<vmem>>[vector<16xi32>, vector<16xi32>], vector<16xf32>,
      %parallel_loop3A_16 = arith.constant 1 : i32
      %parallel_loop3A_17 = vector.broadcast %parallel_loop3A_16 : i32 to vector<16xi32>
      %parallel_loop3A_18 = tpu.vector_load_idx %arg5[%parallel_loop3A_12, %parallel_loop3A_17] : memref<256x16xf32, #tpu.memory_space<vmem>>[vector<16xi32>, vector<16xi32>], vector<16xf32>,
      %parallel_loop3A_19 = arith.constant 2 : i32
      %parallel_loop3A_20 = vector.broadcast %parallel_loop3A_19 : i32 to vector<16xi32>
      %parallel_loop3A_21 = tpu.vector_load_idx %arg5[%parallel_loop3A_12, %parallel_loop3A_20] : memref<256x16xf32, #tpu.memory_space<vmem>>[vector<16xi32>, vector<16xi32>], vector<16xf32>,
      %parallel_loop3A_22 = arith.constant 3 : i32
      %parallel_loop3A_23 = vector.broadcast %parallel_loop3A_22 : i32 to vector<16xi32>
      %parallel_loop3A_24 = tpu.vector_load_idx %arg5[%parallel_loop3A_12, %parallel_loop3A_23] : memref<256x16xf32, #tpu.memory_space<vmem>>[vector<16xi32>, vector<16xi32>], vector<16xf32>,
      %parallel_loop3A_25 = arith.constant 4 : i32
      %parallel_loop3A_26 = vector.broadcast %parallel_loop3A_25 : i32 to vector<16xi32>
      %parallel_loop3A_27 = tpu.vector_load_idx %arg5[%parallel_loop3A_12, %parallel_loop3A_26] : memref<256x16xf32, #tpu.memory_space<vmem>>[vector<16xi32>, vector<16xi32>], vector<16xf32>,
      %parallel_loop3A_28 = arith.constant 5 : i32
      %parallel_loop3A_29 = vector.broadcast %parallel_loop3A_28 : i32 to vector<16xi32>
      %parallel_loop3A_30 = tpu.vector_load_idx %arg5[%parallel_loop3A_12, %parallel_loop3A_29] : memref<256x16xf32, #tpu.memory_space<vmem>>[vector<16xi32>, vector<16xi32>], vector<16xf32>,
      %parallel_loop3A_31 = arith.constant 6 : i32
      %parallel_loop3A_32 = vector.broadcast %parallel_loop3A_31 : i32 to vector<16xi32>
      %parallel_loop3A_33 = tpu.vector_load_idx %arg5[%parallel_loop3A_12, %parallel_loop3A_32] : memref<256x16xf32, #tpu.memory_space<vmem>>[vector<16xi32>, vector<16xi32>], vector<16xf32>,
      %parallel_loop3A_34 = arith.constant 7 : i32
      %parallel_loop3A_35 = vector.broadcast %parallel_loop3A_34 : i32 to vector<16xi32>
      %parallel_loop3A_36 = tpu.vector_load_idx %arg5[%parallel_loop3A_12, %parallel_loop3A_35] : memref<256x16xf32, #tpu.memory_space<vmem>>[vector<16xi32>, vector<16xi32>], vector<16xf32>,
      %parallel_loop3A_37 = arith.constant 8 : i32
      %parallel_loop3A_38 = vector.broadcast %parallel_loop3A_37 : i32 to vector<16xi32>
      %parallel_loop3A_39 = tpu.vector_load_idx %arg5[%parallel_loop3A_12, %parallel_loop3A_38] : memref<256x16xf32, #tpu.memory_space<vmem>>[vector<16xi32>, vector<16xi32>], vector<16xf32>,
      %parallel_loop3A_40 = arith.constant 9 : i32
      %parallel_loop3A_41 = vector.broadcast %parallel_loop3A_40 : i32 to vector<16xi32>
      %parallel_loop3A_42 = tpu.vector_load_idx %arg5[%parallel_loop3A_12, %parallel_loop3A_41] : memref<256x16xf32, #tpu.memory_space<vmem>>[vector<16xi32>, vector<16xi32>], vector<16xf32>,
      %parallel_loop3A_43 = arith.constant 10 : i32
      %parallel_loop3A_44 = vector.broadcast %parallel_loop3A_43 : i32 to vector<16xi32>
      %parallel_loop3A_45 = tpu.vector_load_idx %arg5[%parallel_loop3A_12, %parallel_loop3A_44] : memref<256x16xf32, #tpu.memory_space<vmem>>[vector<16xi32>, vector<16xi32>], vector<16xf32>,
      %parallel_loop3A_46 = arith.constant 11 : i32
      %parallel_loop3A_47 = vector.broadcast %parallel_loop3A_46 : i32 to vector<16xi32>
      %parallel_loop3A_48 = tpu.vector_load_idx %arg5[%parallel_loop3A_12, %parallel_loop3A_47] : memref<256x16xf32, #tpu.memory_space<vmem>>[vector<16xi32>, vector<16xi32>], vector<16xf32>,
      %parallel_loop3A_49 = arith.constant 12 : i32
      %parallel_loop3A_50 = vector.broadcast %parallel_loop3A_49 : i32 to vector<16xi32>
      %parallel_loop3A_51 = tpu.vector_load_idx %arg5[%parallel_loop3A_12, %parallel_loop3A_50] : memref<256x16xf32, #tpu.memory_space<vmem>>[vector<16xi32>, vector<16xi32>], vector<16xf32>,
      %parallel_loop3A_52 = arith.constant 13 : i32
      %parallel_loop3A_53 = vector.broadcast %parallel_loop3A_52 : i32 to vector<16xi32>
      %parallel_loop3A_54 = tpu.vector_load_idx %arg5[%parallel_loop3A_12, %parallel_loop3A_53] : memref<256x16xf32, #tpu.memory_space<vmem>>[vector<16xi32>, vector<16xi32>], vector<16xf32>,
      %parallel_loop3A_55 = arith.constant 14 : i32
      %parallel_loop3A_56 = vector.broadcast %parallel_loop3A_55 : i32 to vector<16xi32>
      %parallel_loop3A_57 = tpu.vector_load_idx %arg5[%parallel_loop3A_12, %parallel_loop3A_56] : memref<256x16xf32, #tpu.memory_space<vmem>>[vector<16xi32>, vector<16xi32>], vector<16xf32>,
      %parallel_loop3A_58 = arith.constant 15 : i32
      %parallel_loop3A_59 = vector.broadcast %parallel_loop3A_58 : i32 to vector<16xi32>
      %parallel_loop3A_60 = tpu.vector_load_idx %arg5[%parallel_loop3A_12, %parallel_loop3A_59] : memref<256x16xf32, #tpu.memory_space<vmem>>[vector<16xi32>, vector<16xi32>], vector<16xf32>,
      %parallel_loop3A_61 = arith.maximumf %parallel_loop3A_15, %parallel_loop3A_18 : vector<16xf32>
      %parallel_loop3A_62 = arith.maximumf %parallel_loop3A_61, %parallel_loop3A_21 : vector<16xf32>
      %parallel_loop3A_63 = arith.maximumf %parallel_loop3A_62, %parallel_loop3A_24 : vector<16xf32>
      %parallel_loop3A_64 = arith.maximumf %parallel_loop3A_63, %parallel_loop3A_27 : vector<16xf32>
      %parallel_loop3A_65 = arith.maximumf %parallel_loop3A_64, %parallel_loop3A_30 : vector<16xf32>
      %parallel_loop3A_66 = arith.maximumf %parallel_loop3A_65, %parallel_loop3A_33 : vector<16xf32>
      %parallel_loop3A_67 = arith.maximumf %parallel_loop3A_66, %parallel_loop3A_36 : vector<16xf32>
      %parallel_loop3A_68 = arith.maximumf %parallel_loop3A_67, %parallel_loop3A_39 : vector<16xf32>
      %parallel_loop3A_69 = arith.maximumf %parallel_loop3A_68, %parallel_loop3A_42 : vector<16xf32>
      %parallel_loop3A_70 = arith.maximumf %parallel_loop3A_69, %parallel_loop3A_45 : vector<16xf32>
      %parallel_loop3A_71 = arith.maximumf %parallel_loop3A_70, %parallel_loop3A_48 : vector<16xf32>
      %parallel_loop3A_72 = arith.maximumf %parallel_loop3A_71, %parallel_loop3A_51 : vector<16xf32>
      %parallel_loop3A_73 = arith.maximumf %parallel_loop3A_72, %parallel_loop3A_54 : vector<16xf32>
      %parallel_loop3A_74 = arith.maximumf %parallel_loop3A_73, %parallel_loop3A_57 : vector<16xf32>
      %parallel_loop3A_75 = arith.maximumf %parallel_loop3A_74, %parallel_loop3A_60 : vector<16xf32>
      %parallel_loop3A_76 = arith.subf %parallel_loop3A_15, %parallel_loop3A_75 : vector<16xf32>
      %parallel_loop3A_77 = math.exp %parallel_loop3A_76 : vector<16xf32>
      %parallel_loop3A_78 = arith.subf %parallel_loop3A_18, %parallel_loop3A_75 : vector<16xf32>
      %parallel_loop3A_79 = math.exp %parallel_loop3A_78 : vector<16xf32>
      %parallel_loop3A_80 = arith.subf %parallel_loop3A_21, %parallel_loop3A_75 : vector<16xf32>
      %parallel_loop3A_81 = math.exp %parallel_loop3A_80 : vector<16xf32>
      %parallel_loop3A_82 = arith.subf %parallel_loop3A_24, %parallel_loop3A_75 : vector<16xf32>
      %parallel_loop3A_83 = math.exp %parallel_loop3A_82 : vector<16xf32>
      %parallel_loop3A_84 = arith.subf %parallel_loop3A_27, %parallel_loop3A_75 : vector<16xf32>
      %parallel_loop3A_85 = math.exp %parallel_loop3A_84 : vector<16xf32>
      %parallel_loop3A_86 = arith.subf %parallel_loop3A_30, %parallel_loop3A_75 : vector<16xf32>
      %parallel_loop3A_87 = math.exp %parallel_loop3A_86 : vector<16xf32>
      %parallel_loop3A_88 = arith.subf %parallel_loop3A_33, %parallel_loop3A_75 : vector<16xf32>
      %parallel_loop3A_89 = math.exp %parallel_loop3A_88 : vector<16xf32>
      %parallel_loop3A_90 = arith.subf %parallel_loop3A_36, %parallel_loop3A_75 : vector<16xf32>
      %parallel_loop3A_91 = math.exp %parallel_loop3A_90 : vector<16xf32>
      %parallel_loop3A_92 = arith.subf %parallel_loop3A_39, %parallel_loop3A_75 : vector<16xf32>
      %parallel_loop3A_93 = math.exp %parallel_loop3A_92 : vector<16xf32>
      %parallel_loop3A_94 = arith.subf %parallel_loop3A_42, %parallel_loop3A_75 : vector<16xf32>
      %parallel_loop3A_95 = math.exp %parallel_loop3A_94 : vector<16xf32>
      %parallel_loop3A_96 = arith.subf %parallel_loop3A_45, %parallel_loop3A_75 : vector<16xf32>
      %parallel_loop3A_97 = math.exp %parallel_loop3A_96 : vector<16xf32>
      %parallel_loop3A_98 = arith.subf %parallel_loop3A_48, %parallel_loop3A_75 : vector<16xf32>
      %parallel_loop3A_99 = math.exp %parallel_loop3A_98 : vector<16xf32>
      %parallel_loop3A_100 = arith.subf %parallel_loop3A_51, %parallel_loop3A_75 : vector<16xf32>
      %parallel_loop3A_101 = math.exp %parallel_loop3A_100 : vector<16xf32>
      %parallel_loop3A_102 = arith.subf %parallel_loop3A_54, %parallel_loop3A_75 : vector<16xf32>
      %parallel_loop3A_103 = math.exp %parallel_loop3A_102 : vector<16xf32>
      %parallel_loop3A_104 = arith.subf %parallel_loop3A_57, %parallel_loop3A_75 : vector<16xf32>
      %parallel_loop3A_105 = math.exp %parallel_loop3A_104 : vector<16xf32>
      %parallel_loop3A_106 = arith.subf %parallel_loop3A_60, %parallel_loop3A_75 : vector<16xf32>
      %parallel_loop3A_107 = math.exp %parallel_loop3A_106 : vector<16xf32>
      %parallel_loop3A_108 = arith.addf %parallel_loop3A_77, %parallel_loop3A_79 : vector<16xf32>
      %parallel_loop3A_109 = arith.addf %parallel_loop3A_108, %parallel_loop3A_81 : vector<16xf32>
      %parallel_loop3A_110 = arith.addf %parallel_loop3A_109, %parallel_loop3A_83 : vector<16xf32>
      %parallel_loop3A_111 = arith.addf %parallel_loop3A_110, %parallel_loop3A_85 : vector<16xf32>
      %parallel_loop3A_112 = arith.addf %parallel_loop3A_111, %parallel_loop3A_87 : vector<16xf32>
      %parallel_loop3A_113 = arith.addf %parallel_loop3A_112, %parallel_loop3A_89 : vector<16xf32>
      %parallel_loop3A_114 = arith.addf %parallel_loop3A_113, %parallel_loop3A_91 : vector<16xf32>
      %parallel_loop3A_115 = arith.addf %parallel_loop3A_114, %parallel_loop3A_93 : vector<16xf32>
      %parallel_loop3A_116 = arith.addf %parallel_loop3A_115, %parallel_loop3A_95 : vector<16xf32>
      %parallel_loop3A_117 = arith.addf %parallel_loop3A_116, %parallel_loop3A_97 : vector<16xf32>
      %parallel_loop3A_118 = arith.addf %parallel_loop3A_117, %parallel_loop3A_99 : vector<16xf32>
      %parallel_loop3A_119 = arith.addf %parallel_loop3A_118, %parallel_loop3A_101 : vector<16xf32>
      %parallel_loop3A_120 = arith.addf %parallel_loop3A_119, %parallel_loop3A_103 : vector<16xf32>
      %parallel_loop3A_121 = arith.addf %parallel_loop3A_120, %parallel_loop3A_105 : vector<16xf32>
      %parallel_loop3A_122 = arith.addf %parallel_loop3A_121, %parallel_loop3A_107 : vector<16xf32>
      %parallel_loop3A_123 = arith.constant 1.000000e+00 : f32
      %parallel_loop3A_124 = vector.broadcast %parallel_loop3A_123 : f32 to vector<16xf32>
      %parallel_loop3A_125 = arith.divf %parallel_loop3A_124, %parallel_loop3A_122 : vector<16xf32>
      %parallel_loop3A_126 = arith.mulf %parallel_loop3A_77, %parallel_loop3A_125 : vector<16xf32>
      %parallel_loop3A_127 = arith.constant 0 : i32
      %parallel_loop3A_128 = vector.broadcast %parallel_loop3A_127 : i32 to vector<16xi32>
      %parallel_loop3A_129 = arith.constant -1.000000e+00 : f32
      %parallel_loop3A_130 = vector.broadcast %parallel_loop3A_129 : f32 to vector<16xf32>
      %parallel_loop3A_131 = arith.constant 0 : i32
      %parallel_loop3A_132 = vector.broadcast %parallel_loop3A_131 : i32 to vector<16xi32>
      %parallel_loop3A_133 = arith.mulf %parallel_loop3A_79, %parallel_loop3A_125 : vector<16xf32>
      %parallel_loop3A_134 = arith.cmpf ogt, %parallel_loop3A_133, %parallel_loop3A_126 : vector<16xf32>
      %parallel_loop3A_135 = arith.cmpf ogt, %parallel_loop3A_133, %parallel_loop3A_130 : vector<16xf32>
      %parallel_loop3A_136 = arith.constant 1 : i32
      %parallel_loop3A_137 = vector.broadcast %parallel_loop3A_136 : i32 to vector<16xi32>
      %parallel_loop3A_138 = arith.select %parallel_loop3A_135, %parallel_loop3A_137, %parallel_loop3A_132 : vector<16xi1>, vector<16xi32>
      %parallel_loop3A_139 = arith.select %parallel_loop3A_134, %parallel_loop3A_128, %parallel_loop3A_138 : vector<16xi1>, vector<16xi32>
      %parallel_loop3A_140 = arith.select %parallel_loop3A_135, %parallel_loop3A_133, %parallel_loop3A_130 : vector<16xi1>, vector<16xf32>
      %parallel_loop3A_141 = arith.select %parallel_loop3A_134, %parallel_loop3A_126, %parallel_loop3A_140 : vector<16xi1>, vector<16xf32>
      %parallel_loop3A_142 = arith.constant 1 : i32
      %parallel_loop3A_143 = vector.broadcast %parallel_loop3A_142 : i32 to vector<16xi32>
      %parallel_loop3A_144 = arith.select %parallel_loop3A_134, %parallel_loop3A_143, %parallel_loop3A_128 : vector<16xi1>, vector<16xi32>
      %parallel_loop3A_145 = arith.select %parallel_loop3A_134, %parallel_loop3A_133, %parallel_loop3A_126 : vector<16xi1>, vector<16xf32>
      %parallel_loop3A_146 = arith.mulf %parallel_loop3A_81, %parallel_loop3A_125 : vector<16xf32>
      %parallel_loop3A_147 = arith.cmpf ogt, %parallel_loop3A_146, %parallel_loop3A_145 : vector<16xf32>
      %parallel_loop3A_148 = arith.cmpf ogt, %parallel_loop3A_146, %parallel_loop3A_141 : vector<16xf32>
      %parallel_loop3A_149 = arith.constant 2 : i32
      %parallel_loop3A_150 = vector.broadcast %parallel_loop3A_149 : i32 to vector<16xi32>
      %parallel_loop3A_151 = arith.select %parallel_loop3A_148, %parallel_loop3A_150, %parallel_loop3A_139 : vector<16xi1>, vector<16xi32>
      %parallel_loop3A_152 = arith.select %parallel_loop3A_147, %parallel_loop3A_144, %parallel_loop3A_151 : vector<16xi1>, vector<16xi32>
      %parallel_loop3A_153 = arith.select %parallel_loop3A_148, %parallel_loop3A_146, %parallel_loop3A_141 : vector<16xi1>, vector<16xf32>
      %parallel_loop3A_154 = arith.select %parallel_loop3A_147, %parallel_loop3A_145, %parallel_loop3A_153 : vector<16xi1>, vector<16xf32>
      %parallel_loop3A_155 = arith.constant 2 : i32
      %parallel_loop3A_156 = vector.broadcast %parallel_loop3A_155 : i32 to vector<16xi32>
      %parallel_loop3A_157 = arith.select %parallel_loop3A_147, %parallel_loop3A_156, %parallel_loop3A_144 : vector<16xi1>, vector<16xi32>
      %parallel_loop3A_158 = arith.select %parallel_loop3A_147, %parallel_loop3A_146, %parallel_loop3A_145 : vector<16xi1>, vector<16xf32>
      %parallel_loop3A_159 = arith.mulf %parallel_loop3A_83, %parallel_loop3A_125 : vector<16xf32>
      %parallel_loop3A_160 = arith.cmpf ogt, %parallel_loop3A_159, %parallel_loop3A_158 : vector<16xf32>
      %parallel_loop3A_161 = arith.cmpf ogt, %parallel_loop3A_159, %parallel_loop3A_154 : vector<16xf32>
      %parallel_loop3A_162 = arith.constant 3 : i32
      %parallel_loop3A_163 = vector.broadcast %parallel_loop3A_162 : i32 to vector<16xi32>
      %parallel_loop3A_164 = arith.select %parallel_loop3A_161, %parallel_loop3A_163, %parallel_loop3A_152 : vector<16xi1>, vector<16xi32>
      %parallel_loop3A_165 = arith.select %parallel_loop3A_160, %parallel_loop3A_157, %parallel_loop3A_164 : vector<16xi1>, vector<16xi32>
      %parallel_loop3A_166 = arith.select %parallel_loop3A_161, %parallel_loop3A_159, %parallel_loop3A_154 : vector<16xi1>, vector<16xf32>
      %parallel_loop3A_167 = arith.select %parallel_loop3A_160, %parallel_loop3A_158, %parallel_loop3A_166 : vector<16xi1>, vector<16xf32>
      %parallel_loop3A_168 = arith.constant 3 : i32
      %parallel_loop3A_169 = vector.broadcast %parallel_loop3A_168 : i32 to vector<16xi32>
      %parallel_loop3A_170 = arith.select %parallel_loop3A_160, %parallel_loop3A_169, %parallel_loop3A_157 : vector<16xi1>, vector<16xi32>
      %parallel_loop3A_171 = arith.select %parallel_loop3A_160, %parallel_loop3A_159, %parallel_loop3A_158 : vector<16xi1>, vector<16xf32>
      %parallel_loop3A_172 = arith.mulf %parallel_loop3A_85, %parallel_loop3A_125 : vector<16xf32>
      %parallel_loop3A_173 = arith.cmpf ogt, %parallel_loop3A_172, %parallel_loop3A_171 : vector<16xf32>
      %parallel_loop3A_174 = arith.cmpf ogt, %parallel_loop3A_172, %parallel_loop3A_167 : vector<16xf32>
      %parallel_loop3A_175 = arith.constant 4 : i32
      %parallel_loop3A_176 = vector.broadcast %parallel_loop3A_175 : i32 to vector<16xi32>
      %parallel_loop3A_177 = arith.select %parallel_loop3A_174, %parallel_loop3A_176, %parallel_loop3A_165 : vector<16xi1>, vector<16xi32>
      %parallel_loop3A_178 = arith.select %parallel_loop3A_173, %parallel_loop3A_170, %parallel_loop3A_177 : vector<16xi1>, vector<16xi32>
      %parallel_loop3A_179 = arith.select %parallel_loop3A_174, %parallel_loop3A_172, %parallel_loop3A_167 : vector<16xi1>, vector<16xf32>
      %parallel_loop3A_180 = arith.select %parallel_loop3A_173, %parallel_loop3A_171, %parallel_loop3A_179 : vector<16xi1>, vector<16xf32>
      %parallel_loop3A_181 = arith.constant 4 : i32
      %parallel_loop3A_182 = vector.broadcast %parallel_loop3A_181 : i32 to vector<16xi32>
      %parallel_loop3A_183 = arith.select %parallel_loop3A_173, %parallel_loop3A_182, %parallel_loop3A_170 : vector<16xi1>, vector<16xi32>
      %parallel_loop3A_184 = arith.select %parallel_loop3A_173, %parallel_loop3A_172, %parallel_loop3A_171 : vector<16xi1>, vector<16xf32>
      %parallel_loop3A_185 = arith.mulf %parallel_loop3A_87, %parallel_loop3A_125 : vector<16xf32>
      %parallel_loop3A_186 = arith.cmpf ogt, %parallel_loop3A_185, %parallel_loop3A_184 : vector<16xf32>
      %parallel_loop3A_187 = arith.cmpf ogt, %parallel_loop3A_185, %parallel_loop3A_180 : vector<16xf32>
      %parallel_loop3A_188 = arith.constant 5 : i32
      %parallel_loop3A_189 = vector.broadcast %parallel_loop3A_188 : i32 to vector<16xi32>
      %parallel_loop3A_190 = arith.select %parallel_loop3A_187, %parallel_loop3A_189, %parallel_loop3A_178 : vector<16xi1>, vector<16xi32>
      %parallel_loop3A_191 = arith.select %parallel_loop3A_186, %parallel_loop3A_183, %parallel_loop3A_190 : vector<16xi1>, vector<16xi32>
      %parallel_loop3A_192 = arith.select %parallel_loop3A_187, %parallel_loop3A_185, %parallel_loop3A_180 : vector<16xi1>, vector<16xf32>
      %parallel_loop3A_193 = arith.select %parallel_loop3A_186, %parallel_loop3A_184, %parallel_loop3A_192 : vector<16xi1>, vector<16xf32>
      %parallel_loop3A_194 = arith.constant 5 : i32
      %parallel_loop3A_195 = vector.broadcast %parallel_loop3A_194 : i32 to vector<16xi32>
      %parallel_loop3A_196 = arith.select %parallel_loop3A_186, %parallel_loop3A_195, %parallel_loop3A_183 : vector<16xi1>, vector<16xi32>
      %parallel_loop3A_197 = arith.select %parallel_loop3A_186, %parallel_loop3A_185, %parallel_loop3A_184 : vector<16xi1>, vector<16xf32>
      %parallel_loop3A_198 = arith.mulf %parallel_loop3A_89, %parallel_loop3A_125 : vector<16xf32>
      %parallel_loop3A_199 = arith.cmpf ogt, %parallel_loop3A_198, %parallel_loop3A_197 : vector<16xf32>
      %parallel_loop3A_200 = arith.cmpf ogt, %parallel_loop3A_198, %parallel_loop3A_193 : vector<16xf32>
      %parallel_loop3A_201 = arith.constant 6 : i32
      %parallel_loop3A_202 = vector.broadcast %parallel_loop3A_201 : i32 to vector<16xi32>
      %parallel_loop3A_203 = arith.select %parallel_loop3A_200, %parallel_loop3A_202, %parallel_loop3A_191 : vector<16xi1>, vector<16xi32>
      %parallel_loop3A_204 = arith.select %parallel_loop3A_199, %parallel_loop3A_196, %parallel_loop3A_203 : vector<16xi1>, vector<16xi32>
      %parallel_loop3A_205 = arith.select %parallel_loop3A_200, %parallel_loop3A_198, %parallel_loop3A_193 : vector<16xi1>, vector<16xf32>
      %parallel_loop3A_206 = arith.select %parallel_loop3A_199, %parallel_loop3A_197, %parallel_loop3A_205 : vector<16xi1>, vector<16xf32>
      %parallel_loop3A_207 = arith.constant 6 : i32
      %parallel_loop3A_208 = vector.broadcast %parallel_loop3A_207 : i32 to vector<16xi32>
      %parallel_loop3A_209 = arith.select %parallel_loop3A_199, %parallel_loop3A_208, %parallel_loop3A_196 : vector<16xi1>, vector<16xi32>
      %parallel_loop3A_210 = arith.select %parallel_loop3A_199, %parallel_loop3A_198, %parallel_loop3A_197 : vector<16xi1>, vector<16xf32>
      %parallel_loop3A_211 = arith.mulf %parallel_loop3A_91, %parallel_loop3A_125 : vector<16xf32>
      %parallel_loop3A_212 = arith.cmpf ogt, %parallel_loop3A_211, %parallel_loop3A_210 : vector<16xf32>
      %parallel_loop3A_213 = arith.cmpf ogt, %parallel_loop3A_211, %parallel_loop3A_206 : vector<16xf32>
      %parallel_loop3A_214 = arith.constant 7 : i32
      %parallel_loop3A_215 = vector.broadcast %parallel_loop3A_214 : i32 to vector<16xi32>
      %parallel_loop3A_216 = arith.select %parallel_loop3A_213, %parallel_loop3A_215, %parallel_loop3A_204 : vector<16xi1>, vector<16xi32>
      %parallel_loop3A_217 = arith.select %parallel_loop3A_212, %parallel_loop3A_209, %parallel_loop3A_216 : vector<16xi1>, vector<16xi32>
      %parallel_loop3A_218 = arith.select %parallel_loop3A_213, %parallel_loop3A_211, %parallel_loop3A_206 : vector<16xi1>, vector<16xf32>
      %parallel_loop3A_219 = arith.select %parallel_loop3A_212, %parallel_loop3A_210, %parallel_loop3A_218 : vector<16xi1>, vector<16xf32>
      %parallel_loop3A_220 = arith.constant 7 : i32
      %parallel_loop3A_221 = vector.broadcast %parallel_loop3A_220 : i32 to vector<16xi32>
      %parallel_loop3A_222 = arith.select %parallel_loop3A_212, %parallel_loop3A_221, %parallel_loop3A_209 : vector<16xi1>, vector<16xi32>
      %parallel_loop3A_223 = arith.select %parallel_loop3A_212, %parallel_loop3A_211, %parallel_loop3A_210 : vector<16xi1>, vector<16xf32>
      %parallel_loop3A_224 = arith.mulf %parallel_loop3A_93, %parallel_loop3A_125 : vector<16xf32>
      %parallel_loop3A_225 = arith.cmpf ogt, %parallel_loop3A_224, %parallel_loop3A_223 : vector<16xf32>
      %parallel_loop3A_226 = arith.cmpf ogt, %parallel_loop3A_224, %parallel_loop3A_219 : vector<16xf32>
      %parallel_loop3A_227 = arith.constant 8 : i32
      %parallel_loop3A_228 = vector.broadcast %parallel_loop3A_227 : i32 to vector<16xi32>
      %parallel_loop3A_229 = arith.select %parallel_loop3A_226, %parallel_loop3A_228, %parallel_loop3A_217 : vector<16xi1>, vector<16xi32>
      %parallel_loop3A_230 = arith.select %parallel_loop3A_225, %parallel_loop3A_222, %parallel_loop3A_229 : vector<16xi1>, vector<16xi32>
      %parallel_loop3A_231 = arith.select %parallel_loop3A_226, %parallel_loop3A_224, %parallel_loop3A_219 : vector<16xi1>, vector<16xf32>
      %parallel_loop3A_232 = arith.select %parallel_loop3A_225, %parallel_loop3A_223, %parallel_loop3A_231 : vector<16xi1>, vector<16xf32>
      %parallel_loop3A_233 = arith.constant 8 : i32
      %parallel_loop3A_234 = vector.broadcast %parallel_loop3A_233 : i32 to vector<16xi32>
      %parallel_loop3A_235 = arith.select %parallel_loop3A_225, %parallel_loop3A_234, %parallel_loop3A_222 : vector<16xi1>, vector<16xi32>
      %parallel_loop3A_236 = arith.select %parallel_loop3A_225, %parallel_loop3A_224, %parallel_loop3A_223 : vector<16xi1>, vector<16xf32>
      %parallel_loop3A_237 = arith.mulf %parallel_loop3A_95, %parallel_loop3A_125 : vector<16xf32>
      %parallel_loop3A_238 = arith.cmpf ogt, %parallel_loop3A_237, %parallel_loop3A_236 : vector<16xf32>
      %parallel_loop3A_239 = arith.cmpf ogt, %parallel_loop3A_237, %parallel_loop3A_232 : vector<16xf32>
      %parallel_loop3A_240 = arith.constant 9 : i32
      %parallel_loop3A_241 = vector.broadcast %parallel_loop3A_240 : i32 to vector<16xi32>
      %parallel_loop3A_242 = arith.select %parallel_loop3A_239, %parallel_loop3A_241, %parallel_loop3A_230 : vector<16xi1>, vector<16xi32>
      %parallel_loop3A_243 = arith.select %parallel_loop3A_238, %parallel_loop3A_235, %parallel_loop3A_242 : vector<16xi1>, vector<16xi32>
      %parallel_loop3A_244 = arith.select %parallel_loop3A_239, %parallel_loop3A_237, %parallel_loop3A_232 : vector<16xi1>, vector<16xf32>
      %parallel_loop3A_245 = arith.select %parallel_loop3A_238, %parallel_loop3A_236, %parallel_loop3A_244 : vector<16xi1>, vector<16xf32>
      %parallel_loop3A_246 = arith.constant 9 : i32
      %parallel_loop3A_247 = vector.broadcast %parallel_loop3A_246 : i32 to vector<16xi32>
      %parallel_loop3A_248 = arith.select %parallel_loop3A_238, %parallel_loop3A_247, %parallel_loop3A_235 : vector<16xi1>, vector<16xi32>
      %parallel_loop3A_249 = arith.select %parallel_loop3A_238, %parallel_loop3A_237, %parallel_loop3A_236 : vector<16xi1>, vector<16xf32>
      %parallel_loop3A_250 = arith.mulf %parallel_loop3A_97, %parallel_loop3A_125 : vector<16xf32>
      %parallel_loop3A_251 = arith.cmpf ogt, %parallel_loop3A_250, %parallel_loop3A_249 : vector<16xf32>
      %parallel_loop3A_252 = arith.cmpf ogt, %parallel_loop3A_250, %parallel_loop3A_245 : vector<16xf32>
      %parallel_loop3A_253 = arith.constant 10 : i32
      %parallel_loop3A_254 = vector.broadcast %parallel_loop3A_253 : i32 to vector<16xi32>
      %parallel_loop3A_255 = arith.select %parallel_loop3A_252, %parallel_loop3A_254, %parallel_loop3A_243 : vector<16xi1>, vector<16xi32>
      %parallel_loop3A_256 = arith.select %parallel_loop3A_251, %parallel_loop3A_248, %parallel_loop3A_255 : vector<16xi1>, vector<16xi32>
      %parallel_loop3A_257 = arith.select %parallel_loop3A_252, %parallel_loop3A_250, %parallel_loop3A_245 : vector<16xi1>, vector<16xf32>
      %parallel_loop3A_258 = arith.select %parallel_loop3A_251, %parallel_loop3A_249, %parallel_loop3A_257 : vector<16xi1>, vector<16xf32>
      %parallel_loop3A_259 = arith.constant 10 : i32
      %parallel_loop3A_260 = vector.broadcast %parallel_loop3A_259 : i32 to vector<16xi32>
      %parallel_loop3A_261 = arith.select %parallel_loop3A_251, %parallel_loop3A_260, %parallel_loop3A_248 : vector<16xi1>, vector<16xi32>
      %parallel_loop3A_262 = arith.select %parallel_loop3A_251, %parallel_loop3A_250, %parallel_loop3A_249 : vector<16xi1>, vector<16xf32>
      %parallel_loop3A_263 = arith.mulf %parallel_loop3A_99, %parallel_loop3A_125 : vector<16xf32>
      %parallel_loop3A_264 = arith.cmpf ogt, %parallel_loop3A_263, %parallel_loop3A_262 : vector<16xf32>
      %parallel_loop3A_265 = arith.cmpf ogt, %parallel_loop3A_263, %parallel_loop3A_258 : vector<16xf32>
      %parallel_loop3A_266 = arith.constant 11 : i32
      %parallel_loop3A_267 = vector.broadcast %parallel_loop3A_266 : i32 to vector<16xi32>
      %parallel_loop3A_268 = arith.select %parallel_loop3A_265, %parallel_loop3A_267, %parallel_loop3A_256 : vector<16xi1>, vector<16xi32>
      %parallel_loop3A_269 = arith.select %parallel_loop3A_264, %parallel_loop3A_261, %parallel_loop3A_268 : vector<16xi1>, vector<16xi32>
      %parallel_loop3A_270 = arith.select %parallel_loop3A_265, %parallel_loop3A_263, %parallel_loop3A_258 : vector<16xi1>, vector<16xf32>
      %parallel_loop3A_271 = arith.select %parallel_loop3A_264, %parallel_loop3A_262, %parallel_loop3A_270 : vector<16xi1>, vector<16xf32>
      %parallel_loop3A_272 = arith.constant 11 : i32
      %parallel_loop3A_273 = vector.broadcast %parallel_loop3A_272 : i32 to vector<16xi32>
      %parallel_loop3A_274 = arith.select %parallel_loop3A_264, %parallel_loop3A_273, %parallel_loop3A_261 : vector<16xi1>, vector<16xi32>
      %parallel_loop3A_275 = arith.select %parallel_loop3A_264, %parallel_loop3A_263, %parallel_loop3A_262 : vector<16xi1>, vector<16xf32>
      %parallel_loop3A_276 = arith.mulf %parallel_loop3A_101, %parallel_loop3A_125 : vector<16xf32>
      %parallel_loop3A_277 = arith.cmpf ogt, %parallel_loop3A_276, %parallel_loop3A_275 : vector<16xf32>
      %parallel_loop3A_278 = arith.cmpf ogt, %parallel_loop3A_276, %parallel_loop3A_271 : vector<16xf32>
      %parallel_loop3A_279 = arith.constant 12 : i32
      %parallel_loop3A_280 = vector.broadcast %parallel_loop3A_279 : i32 to vector<16xi32>
      %parallel_loop3A_281 = arith.select %parallel_loop3A_278, %parallel_loop3A_280, %parallel_loop3A_269 : vector<16xi1>, vector<16xi32>
      %parallel_loop3A_282 = arith.select %parallel_loop3A_277, %parallel_loop3A_274, %parallel_loop3A_281 : vector<16xi1>, vector<16xi32>
      %parallel_loop3A_283 = arith.select %parallel_loop3A_278, %parallel_loop3A_276, %parallel_loop3A_271 : vector<16xi1>, vector<16xf32>
      %parallel_loop3A_284 = arith.select %parallel_loop3A_277, %parallel_loop3A_275, %parallel_loop3A_283 : vector<16xi1>, vector<16xf32>
      %parallel_loop3A_285 = arith.constant 12 : i32
      %parallel_loop3A_286 = vector.broadcast %parallel_loop3A_285 : i32 to vector<16xi32>
      %parallel_loop3A_287 = arith.select %parallel_loop3A_277, %parallel_loop3A_286, %parallel_loop3A_274 : vector<16xi1>, vector<16xi32>
      %parallel_loop3A_288 = arith.select %parallel_loop3A_277, %parallel_loop3A_276, %parallel_loop3A_275 : vector<16xi1>, vector<16xf32>
      %parallel_loop3A_289 = arith.mulf %parallel_loop3A_103, %parallel_loop3A_125 : vector<16xf32>
      %parallel_loop3A_290 = arith.cmpf ogt, %parallel_loop3A_289, %parallel_loop3A_288 : vector<16xf32>
      %parallel_loop3A_291 = arith.cmpf ogt, %parallel_loop3A_289, %parallel_loop3A_284 : vector<16xf32>
      %parallel_loop3A_292 = arith.constant 13 : i32
      %parallel_loop3A_293 = vector.broadcast %parallel_loop3A_292 : i32 to vector<16xi32>
      %parallel_loop3A_294 = arith.select %parallel_loop3A_291, %parallel_loop3A_293, %parallel_loop3A_282 : vector<16xi1>, vector<16xi32>
      %parallel_loop3A_295 = arith.select %parallel_loop3A_290, %parallel_loop3A_287, %parallel_loop3A_294 : vector<16xi1>, vector<16xi32>
      %parallel_loop3A_296 = arith.select %parallel_loop3A_291, %parallel_loop3A_289, %parallel_loop3A_284 : vector<16xi1>, vector<16xf32>
      %parallel_loop3A_297 = arith.select %parallel_loop3A_290, %parallel_loop3A_288, %parallel_loop3A_296 : vector<16xi1>, vector<16xf32>
      %parallel_loop3A_298 = arith.constant 13 : i32
      %parallel_loop3A_299 = vector.broadcast %parallel_loop3A_298 : i32 to vector<16xi32>
      %parallel_loop3A_300 = arith.select %parallel_loop3A_290, %parallel_loop3A_299, %parallel_loop3A_287 : vector<16xi1>, vector<16xi32>
      %parallel_loop3A_301 = arith.select %parallel_loop3A_290, %parallel_loop3A_289, %parallel_loop3A_288 : vector<16xi1>, vector<16xf32>
      %parallel_loop3A_302 = arith.mulf %parallel_loop3A_105, %parallel_loop3A_125 : vector<16xf32>
      %parallel_loop3A_303 = arith.cmpf ogt, %parallel_loop3A_302, %parallel_loop3A_301 : vector<16xf32>
      %parallel_loop3A_304 = arith.cmpf ogt, %parallel_loop3A_302, %parallel_loop3A_297 : vector<16xf32>
      %parallel_loop3A_305 = arith.constant 14 : i32
      %parallel_loop3A_306 = vector.broadcast %parallel_loop3A_305 : i32 to vector<16xi32>
      %parallel_loop3A_307 = arith.select %parallel_loop3A_304, %parallel_loop3A_306, %parallel_loop3A_295 : vector<16xi1>, vector<16xi32>
      %parallel_loop3A_308 = arith.select %parallel_loop3A_303, %parallel_loop3A_300, %parallel_loop3A_307 : vector<16xi1>, vector<16xi32>
      %parallel_loop3A_309 = arith.select %parallel_loop3A_304, %parallel_loop3A_302, %parallel_loop3A_297 : vector<16xi1>, vector<16xf32>
      %parallel_loop3A_310 = arith.select %parallel_loop3A_303, %parallel_loop3A_301, %parallel_loop3A_309 : vector<16xi1>, vector<16xf32>
      %parallel_loop3A_311 = arith.constant 14 : i32
      %parallel_loop3A_312 = vector.broadcast %parallel_loop3A_311 : i32 to vector<16xi32>
      %parallel_loop3A_313 = arith.select %parallel_loop3A_303, %parallel_loop3A_312, %parallel_loop3A_300 : vector<16xi1>, vector<16xi32>
      %parallel_loop3A_314 = arith.select %parallel_loop3A_303, %parallel_loop3A_302, %parallel_loop3A_301 : vector<16xi1>, vector<16xf32>
      %parallel_loop3A_315 = arith.mulf %parallel_loop3A_107, %parallel_loop3A_125 : vector<16xf32>
      %parallel_loop3A_316 = arith.cmpf ogt, %parallel_loop3A_315, %parallel_loop3A_314 : vector<16xf32>
      %parallel_loop3A_317 = arith.cmpf ogt, %parallel_loop3A_315, %parallel_loop3A_310 : vector<16xf32>
      %parallel_loop3A_318 = arith.constant 15 : i32
      %parallel_loop3A_319 = vector.broadcast %parallel_loop3A_318 : i32 to vector<16xi32>
      %parallel_loop3A_320 = arith.select %parallel_loop3A_317, %parallel_loop3A_319, %parallel_loop3A_308 : vector<16xi1>, vector<16xi32>
      %parallel_loop3A_321 = arith.select %parallel_loop3A_316, %parallel_loop3A_313, %parallel_loop3A_320 : vector<16xi1>, vector<16xi32>
      %parallel_loop3A_322 = arith.select %parallel_loop3A_317, %parallel_loop3A_315, %parallel_loop3A_310 : vector<16xi1>, vector<16xf32>
      %parallel_loop3A_323 = arith.select %parallel_loop3A_316, %parallel_loop3A_314, %parallel_loop3A_322 : vector<16xi1>, vector<16xf32>
      %parallel_loop3A_324 = arith.constant 15 : i32
      %parallel_loop3A_325 = vector.broadcast %parallel_loop3A_324 : i32 to vector<16xi32>
      %parallel_loop3A_326 = arith.select %parallel_loop3A_316, %parallel_loop3A_325, %parallel_loop3A_313 : vector<16xi1>, vector<16xi32>
      %parallel_loop3A_327 = arith.select %parallel_loop3A_316, %parallel_loop3A_315, %parallel_loop3A_314 : vector<16xi1>, vector<16xf32>
      %parallel_loop3A_328 = arith.constant 16 : i32
      %parallel_loop3A_329 = arith.muli %parallel_loop3A_8, %parallel_loop3A_328 : i32
      %parallel_loop3A_330 = arith.constant 0 : i32
      %parallel_loop3A_331 = arith.addi %parallel_loop3A_329, %parallel_loop3A_330 : i32
      %parallel_loop3A_332 = arith.index_cast %parallel_loop3A_331 : i32 to index
      %parallel_loop3A_333 = arith.constant 0 : index
      %parallel_loop3A_334 = tpu.vector_load %arg6[%parallel_loop3A_332, %parallel_loop3A_333] {strides = array<i32>} : memref<256x16xf32, #tpu.memory_space<vmem>>, vector<16xf32>,
      tpu.vector_store %arg6[%parallel_loop3A_332, %parallel_loop3A_333], %broadcast_in_dim3A_3 {strides = array<i32>} : memref<256x16xf32, #tpu.memory_space<vmem>>, vector<16xf32>,
      %parallel_loop3A_335 = arith.constant 16 : i32
      %parallel_loop3A_336 = arith.muli %parallel_loop3A_8, %parallel_loop3A_335 : i32
      %parallel_loop3A_337 = arith.constant 1 : i32
      %parallel_loop3A_338 = arith.addi %parallel_loop3A_336, %parallel_loop3A_337 : i32
      %parallel_loop3A_339 = arith.index_cast %parallel_loop3A_338 : i32 to index
      %parallel_loop3A_340 = arith.constant 0 : index
      %parallel_loop3A_341 = tpu.vector_load %arg6[%parallel_loop3A_339, %parallel_loop3A_340] {strides = array<i32>} : memref<256x16xf32, #tpu.memory_space<vmem>>, vector<16xf32>,
      tpu.vector_store %arg6[%parallel_loop3A_339, %parallel_loop3A_340], %broadcast_in_dim3A_3 {strides = array<i32>} : memref<256x16xf32, #tpu.memory_space<vmem>>, vector<16xf32>,
      %parallel_loop3A_342 = arith.constant 16 : i32
      %parallel_loop3A_343 = arith.muli %parallel_loop3A_8, %parallel_loop3A_342 : i32
      %parallel_loop3A_344 = arith.constant 2 : i32
      %parallel_loop3A_345 = arith.addi %parallel_loop3A_343, %parallel_loop3A_344 : i32
      %parallel_loop3A_346 = arith.index_cast %parallel_loop3A_345 : i32 to index
      %parallel_loop3A_347 = arith.constant 0 : index
      %parallel_loop3A_348 = tpu.vector_load %arg6[%parallel_loop3A_346, %parallel_loop3A_347] {strides = array<i32>} : memref<256x16xf32, #tpu.memory_space<vmem>>, vector<16xf32>,
      tpu.vector_store %arg6[%parallel_loop3A_346, %parallel_loop3A_347], %broadcast_in_dim3A_3 {strides = array<i32>} : memref<256x16xf32, #tpu.memory_space<vmem>>, vector<16xf32>,
      %parallel_loop3A_349 = arith.constant 16 : i32
      %parallel_loop3A_350 = arith.muli %parallel_loop3A_8, %parallel_loop3A_349 : i32
      %parallel_loop3A_351 = arith.constant 3 : i32
      %parallel_loop3A_352 = arith.addi %parallel_loop3A_350, %parallel_loop3A_351 : i32
      %parallel_loop3A_353 = arith.index_cast %parallel_loop3A_352 : i32 to index
      %parallel_loop3A_354 = arith.constant 0 : index
      %parallel_loop3A_355 = tpu.vector_load %arg6[%parallel_loop3A_353, %parallel_loop3A_354] {strides = array<i32>} : memref<256x16xf32, #tpu.memory_space<vmem>>, vector<16xf32>,
      tpu.vector_store %arg6[%parallel_loop3A_353, %parallel_loop3A_354], %broadcast_in_dim3A_3 {strides = array<i32>} : memref<256x16xf32, #tpu.memory_space<vmem>>, vector<16xf32>,
      %parallel_loop3A_356 = arith.constant 16 : i32
      %parallel_loop3A_357 = arith.muli %parallel_loop3A_8, %parallel_loop3A_356 : i32
      %parallel_loop3A_358 = arith.constant 4 : i32
      %parallel_loop3A_359 = arith.addi %parallel_loop3A_357, %parallel_loop3A_358 : i32
      %parallel_loop3A_360 = arith.index_cast %parallel_loop3A_359 : i32 to index
      %parallel_loop3A_361 = arith.constant 0 : index
      %parallel_loop3A_362 = tpu.vector_load %arg6[%parallel_loop3A_360, %parallel_loop3A_361] {strides = array<i32>} : memref<256x16xf32, #tpu.memory_space<vmem>>, vector<16xf32>,
      tpu.vector_store %arg6[%parallel_loop3A_360, %parallel_loop3A_361], %broadcast_in_dim3A_3 {strides = array<i32>} : memref<256x16xf32, #tpu.memory_space<vmem>>, vector<16xf32>,
      %parallel_loop3A_363 = arith.constant 16 : i32
      %parallel_loop3A_364 = arith.muli %parallel_loop3A_8, %parallel_loop3A_363 : i32
      %parallel_loop3A_365 = arith.constant 5 : i32
      %parallel_loop3A_366 = arith.addi %parallel_loop3A_364, %parallel_loop3A_365 : i32
      %parallel_loop3A_367 = arith.index_cast %parallel_loop3A_366 : i32 to index
      %parallel_loop3A_368 = arith.constant 0 : index
      %parallel_loop3A_369 = tpu.vector_load %arg6[%parallel_loop3A_367, %parallel_loop3A_368] {strides = array<i32>} : memref<256x16xf32, #tpu.memory_space<vmem>>, vector<16xf32>,
      tpu.vector_store %arg6[%parallel_loop3A_367, %parallel_loop3A_368], %broadcast_in_dim3A_3 {strides = array<i32>} : memref<256x16xf32, #tpu.memory_space<vmem>>, vector<16xf32>,
      %parallel_loop3A_370 = arith.constant 16 : i32
      %parallel_loop3A_371 = arith.muli %parallel_loop3A_8, %parallel_loop3A_370 : i32
      %parallel_loop3A_372 = arith.constant 6 : i32
      %parallel_loop3A_373 = arith.addi %parallel_loop3A_371, %parallel_loop3A_372 : i32
      %parallel_loop3A_374 = arith.index_cast %parallel_loop3A_373 : i32 to index
      %parallel_loop3A_375 = arith.constant 0 : index
      %parallel_loop3A_376 = tpu.vector_load %arg6[%parallel_loop3A_374, %parallel_loop3A_375] {strides = array<i32>} : memref<256x16xf32, #tpu.memory_space<vmem>>, vector<16xf32>,
      tpu.vector_store %arg6[%parallel_loop3A_374, %parallel_loop3A_375], %broadcast_in_dim3A_3 {strides = array<i32>} : memref<256x16xf32, #tpu.memory_space<vmem>>, vector<16xf32>,
      %parallel_loop3A_377 = arith.constant 16 : i32
      %parallel_loop3A_378 = arith.muli %parallel_loop3A_8, %parallel_loop3A_377 : i32
      %parallel_loop3A_379 = arith.constant 7 : i32
      %parallel_loop3A_380 = arith.addi %parallel_loop3A_378, %parallel_loop3A_379 : i32
      %parallel_loop3A_381 = arith.index_cast %parallel_loop3A_380 : i32 to index
      %parallel_loop3A_382 = arith.constant 0 : index
      %parallel_loop3A_383 = tpu.vector_load %arg6[%parallel_loop3A_381, %parallel_loop3A_382] {strides = array<i32>} : memref<256x16xf32, #tpu.memory_space<vmem>>, vector<16xf32>,
      tpu.vector_store %arg6[%parallel_loop3A_381, %parallel_loop3A_382], %broadcast_in_dim3A_3 {strides = array<i32>} : memref<256x16xf32, #tpu.memory_space<vmem>>, vector<16xf32>,
      %parallel_loop3A_384 = arith.constant 16 : i32
      %parallel_loop3A_385 = arith.muli %parallel_loop3A_8, %parallel_loop3A_384 : i32
      %parallel_loop3A_386 = arith.constant 8 : i32
      %parallel_loop3A_387 = arith.addi %parallel_loop3A_385, %parallel_loop3A_386 : i32
      %parallel_loop3A_388 = arith.index_cast %parallel_loop3A_387 : i32 to index
      %parallel_loop3A_389 = arith.constant 0 : index
      %parallel_loop3A_390 = tpu.vector_load %arg6[%parallel_loop3A_388, %parallel_loop3A_389] {strides = array<i32>} : memref<256x16xf32, #tpu.memory_space<vmem>>, vector<16xf32>,
      tpu.vector_store %arg6[%parallel_loop3A_388, %parallel_loop3A_389], %broadcast_in_dim3A_3 {strides = array<i32>} : memref<256x16xf32, #tpu.memory_space<vmem>>, vector<16xf32>,
      %parallel_loop3A_391 = arith.constant 16 : i32
      %parallel_loop3A_392 = arith.muli %parallel_loop3A_8, %parallel_loop3A_391 : i32
      %parallel_loop3A_393 = arith.constant 9 : i32
      %parallel_loop3A_394 = arith.addi %parallel_loop3A_392, %parallel_loop3A_393 : i32
      %parallel_loop3A_395 = arith.index_cast %parallel_loop3A_394 : i32 to index
      %parallel_loop3A_396 = arith.constant 0 : index
      %parallel_loop3A_397 = tpu.vector_load %arg6[%parallel_loop3A_395, %parallel_loop3A_396] {strides = array<i32>} : memref<256x16xf32, #tpu.memory_space<vmem>>, vector<16xf32>,
      tpu.vector_store %arg6[%parallel_loop3A_395, %parallel_loop3A_396], %broadcast_in_dim3A_3 {strides = array<i32>} : memref<256x16xf32, #tpu.memory_space<vmem>>, vector<16xf32>,
      %parallel_loop3A_398 = arith.constant 16 : i32
      %parallel_loop3A_399 = arith.muli %parallel_loop3A_8, %parallel_loop3A_398 : i32
      %parallel_loop3A_400 = arith.constant 10 : i32
      %parallel_loop3A_401 = arith.addi %parallel_loop3A_399, %parallel_loop3A_400 : i32
      %parallel_loop3A_402 = arith.index_cast %parallel_loop3A_401 : i32 to index
      %parallel_loop3A_403 = arith.constant 0 : index
      %parallel_loop3A_404 = tpu.vector_load %arg6[%parallel_loop3A_402, %parallel_loop3A_403] {strides = array<i32>} : memref<256x16xf32, #tpu.memory_space<vmem>>, vector<16xf32>,
      tpu.vector_store %arg6[%parallel_loop3A_402, %parallel_loop3A_403], %broadcast_in_dim3A_3 {strides = array<i32>} : memref<256x16xf32, #tpu.memory_space<vmem>>, vector<16xf32>,
      %parallel_loop3A_405 = arith.constant 16 : i32
      %parallel_loop3A_406 = arith.muli %parallel_loop3A_8, %parallel_loop3A_405 : i32
      %parallel_loop3A_407 = arith.constant 11 : i32
      %parallel_loop3A_408 = arith.addi %parallel_loop3A_406, %parallel_loop3A_407 : i32
      %parallel_loop3A_409 = arith.index_cast %parallel_loop3A_408 : i32 to index
      %parallel_loop3A_410 = arith.constant 0 : index
      %parallel_loop3A_411 = tpu.vector_load %arg6[%parallel_loop3A_409, %parallel_loop3A_410] {strides = array<i32>} : memref<256x16xf32, #tpu.memory_space<vmem>>, vector<16xf32>,
      tpu.vector_store %arg6[%parallel_loop3A_409, %parallel_loop3A_410], %broadcast_in_dim3A_3 {strides = array<i32>} : memref<256x16xf32, #tpu.memory_space<vmem>>, vector<16xf32>,
      %parallel_loop3A_412 = arith.constant 16 : i32
      %parallel_loop3A_413 = arith.muli %parallel_loop3A_8, %parallel_loop3A_412 : i32
      %parallel_loop3A_414 = arith.constant 12 : i32
      %parallel_loop3A_415 = arith.addi %parallel_loop3A_413, %parallel_loop3A_414 : i32
      %parallel_loop3A_416 = arith.index_cast %parallel_loop3A_415 : i32 to index
      %parallel_loop3A_417 = arith.constant 0 : index
      %parallel_loop3A_418 = tpu.vector_load %arg6[%parallel_loop3A_416, %parallel_loop3A_417] {strides = array<i32>} : memref<256x16xf32, #tpu.memory_space<vmem>>, vector<16xf32>,
      tpu.vector_store %arg6[%parallel_loop3A_416, %parallel_loop3A_417], %broadcast_in_dim3A_3 {strides = array<i32>} : memref<256x16xf32, #tpu.memory_space<vmem>>, vector<16xf32>,
      %parallel_loop3A_419 = arith.constant 16 : i32
      %parallel_loop3A_420 = arith.muli %parallel_loop3A_8, %parallel_loop3A_419 : i32
      %parallel_loop3A_421 = arith.constant 13 : i32
      %parallel_loop3A_422 = arith.addi %parallel_loop3A_420, %parallel_loop3A_421 : i32
      %parallel_loop3A_423 = arith.index_cast %parallel_loop3A_422 : i32 to index
      %parallel_loop3A_424 = arith.constant 0 : index
      %parallel_loop3A_425 = tpu.vector_load %arg6[%parallel_loop3A_423, %parallel_loop3A_424] {strides = array<i32>} : memref<256x16xf32, #tpu.memory_space<vmem>>, vector<16xf32>,
      tpu.vector_store %arg6[%parallel_loop3A_423, %parallel_loop3A_424], %broadcast_in_dim3A_3 {strides = array<i32>} : memref<256x16xf32, #tpu.memory_space<vmem>>, vector<16xf32>,
      %parallel_loop3A_426 = arith.constant 16 : i32
      %parallel_loop3A_427 = arith.muli %parallel_loop3A_8, %parallel_loop3A_426 : i32
      %parallel_loop3A_428 = arith.constant 14 : i32
      %parallel_loop3A_429 = arith.addi %parallel_loop3A_427, %parallel_loop3A_428 : i32
      %parallel_loop3A_430 = arith.index_cast %parallel_loop3A_429 : i32 to index
      %parallel_loop3A_431 = arith.constant 0 : index
      %parallel_loop3A_432 = tpu.vector_load %arg6[%parallel_loop3A_430, %parallel_loop3A_431] {strides = array<i32>} : memref<256x16xf32, #tpu.memory_space<vmem>>, vector<16xf32>,
      tpu.vector_store %arg6[%parallel_loop3A_430, %parallel_loop3A_431], %broadcast_in_dim3A_3 {strides = array<i32>} : memref<256x16xf32, #tpu.memory_space<vmem>>, vector<16xf32>,
      %parallel_loop3A_433 = arith.constant 16 : i32
      %parallel_loop3A_434 = arith.muli %parallel_loop3A_8, %parallel_loop3A_433 : i32
      %parallel_loop3A_435 = arith.constant 15 : i32
      %parallel_loop3A_436 = arith.addi %parallel_loop3A_434, %parallel_loop3A_435 : i32
      %parallel_loop3A_437 = arith.index_cast %parallel_loop3A_436 : i32 to index
      %parallel_loop3A_438 = arith.constant 0 : index
      %parallel_loop3A_439 = tpu.vector_load %arg6[%parallel_loop3A_437, %parallel_loop3A_438] {strides = array<i32>} : memref<256x16xf32, #tpu.memory_space<vmem>>, vector<16xf32>,
      tpu.vector_store %arg6[%parallel_loop3A_437, %parallel_loop3A_438], %broadcast_in_dim3A_3 {strides = array<i32>} : memref<256x16xf32, #tpu.memory_space<vmem>>, vector<16xf32>,
      tpu.vector_store_idx %arg6[%parallel_loop3A_12, %parallel_loop3A_326], %parallel_loop3A_327 : memref<256x16xf32, #tpu.memory_space<vmem>>[vector<16xi32>, vector<16xi32>], vector<16xf32>,
      tpu.vector_store_idx %arg6[%parallel_loop3A_12, %parallel_loop3A_321], %parallel_loop3A_323 : memref<256x16xf32, #tpu.memory_space<vmem>>[vector<16xi32>, vector<16xi32>], vector<16xf32>,
      %parallel_loop3A_440 = arith.constant 2 : i32
      %parallel_loop3A_441 = vector.broadcast %parallel_loop3A_440 : i32 to vector<16xi32>
      %parallel_loop3A_442 = arith.muli %parallel_loop3A_12, %parallel_loop3A_441 : vector<16xi32>
      tpu.vector_store_idx %arg7[%parallel_loop3A_442], %parallel_loop3A_326 : memref<512xi32, #tpu.memory_space<vmem>>[vector<16xi32>], vector<16xi32>,
      %parallel_loop3A_443 = arith.constant 2 : i32
      %parallel_loop3A_444 = vector.broadcast %parallel_loop3A_443 : i32 to vector<16xi32>
      %parallel_loop3A_445 = arith.muli %parallel_loop3A_12, %parallel_loop3A_444 : vector<16xi32>
      %parallel_loop3A_446 = arith.constant 1 : i32
      %parallel_loop3A_447 = vector.broadcast %parallel_loop3A_446 : i32 to vector<16xi32>
      %parallel_loop3A_448 = arith.addi %parallel_loop3A_445, %parallel_loop3A_447 : vector<16xi32>
      tpu.vector_store_idx %arg7[%parallel_loop3A_448], %parallel_loop3A_321 : memref<512xi32, #tpu.memory_space<vmem>>[vector<16xi32>], vector<16xi32>,
    } {sc.loop_unroll_factor = 2 : i64, sc.parallel_access}
    "tpu.region"() ({
      %run_scoped3A = tpu.sem_alloc : memref<!tpu.dma_semaphore, #tpu.memory_space<semaphore_mem>>
      %dma_start3A = arith.constant 0 : i32
      %dma_start3A_8 = tpu.memref_slice %arg3[%mul3A_2, %dma_start3A] : memref<8192x16xf32, #tpu.memory_space<hbm>> -> memref<256x16xf32, #tpu.memory_space<hbm>>
      %dma_start3A_9 = arith.constant 0 : i32
      %dma_start3A_10 = tpu.memref_slice %arg3[%mul3A_2, %dma_start3A_9] : memref<8192x16xf32, #tpu.memory_space<hbm>> -> memref<256x16xf32, #tpu.memory_space<hbm>>
      tpu.enqueue_dma source(%arg6 : memref<256x16xf32, #tpu.memory_space<vmem>>) target(%dma_start3A_10 : memref<256x16xf32, #tpu.memory_space<hbm>>) target_semaphore(%run_scoped3A : memref<!tpu.dma_semaphore, #tpu.memory_space<semaphore_mem>>)
      %dma_wait3A = arith.constant 0 : i32
      %dma_wait3A_11 = tpu.memref_slice %arg3[%mul3A_2, %dma_wait3A] : memref<8192x16xf32, #tpu.memory_space<hbm>> -> memref<256x16xf32, #tpu.memory_space<hbm>>
      %dma_wait3A_12 = arith.constant 0 : i32
      %dma_wait3A_13 = tpu.memref_slice %arg3[%mul3A_2, %dma_wait3A_12] : memref<8192x16xf32, #tpu.memory_space<hbm>> -> memref<256x16xf32, #tpu.memory_space<hbm>>
      tpu.wait_dma2 semaphore(%run_scoped3A : memref<!tpu.dma_semaphore, #tpu.memory_space<semaphore_mem>>) src(%arg6 : memref<256x16xf32, #tpu.memory_space<vmem>>) dst(%dma_wait3A_13 : memref<256x16xf32, #tpu.memory_space<hbm>>)
      tpu.yield
    }) : () -> ()
    %mul3A_6 = arith.constant 2 : i32
    %mul3A_7 = arith.muli %mul3A_2, %mul3A_6 : i32
    "tpu.region"() ({
      %run_scoped3A = tpu.sem_alloc : memref<!tpu.dma_semaphore, #tpu.memory_space<semaphore_mem>>
      %dma_start3A = tpu.memref_slice %arg4[%mul3A_7] : memref<16384xi32, #tpu.memory_space<hbm>> -> memref<512xi32, #tpu.memory_space<hbm>>
      %dma_start3A_8 = tpu.memref_slice %arg4[%mul3A_7] : memref<16384xi32, #tpu.memory_space<hbm>> -> memref<512xi32, #tpu.memory_space<hbm>>
      tpu.enqueue_dma source(%arg7 : memref<512xi32, #tpu.memory_space<vmem>>) target(%dma_start3A_8 : memref<512xi32, #tpu.memory_space<hbm>>) target_semaphore(%run_scoped3A : memref<!tpu.dma_semaphore, #tpu.memory_space<semaphore_mem>>)
      %dma_wait3A = tpu.memref_slice %arg4[%mul3A_7] : memref<16384xi32, #tpu.memory_space<hbm>> -> memref<512xi32, #tpu.memory_space<hbm>>
      %dma_wait3A_9 = tpu.memref_slice %arg4[%mul3A_7] : memref<16384xi32, #tpu.memory_space<hbm>> -> memref<512xi32, #tpu.memory_space<hbm>>
      tpu.wait_dma2 semaphore(%run_scoped3A : memref<!tpu.dma_semaphore, #tpu.memory_space<semaphore_mem>>) src(%arg7 : memref<512xi32, #tpu.memory_space<vmem>>) dst(%dma_wait3A_9 : memref<512xi32, #tpu.memory_space<hbm>>)
      tpu.yield
    }) : () -> ()
    return
  }
}

module attributes {stable_mosaic.version = 14 : i64} {
  func.func @_logits_body(%arg0: i32, %arg1: memref<1024x2048xf32, #tpu.memory_space<vmem>>, %arg2: memref<16x2048xf32, #tpu.memory_space<vmem>>, %arg3: memref<1024x16xf32, #tpu.memory_space<vmem>>) attributes {dimension_semantics = [#tpu.dimension_semantics<arbitrary>], iteration_bounds = array<i64: 8>, scalar_prefetch = 0 : i64, scratch_operands = 0 : i64, tpu.core_type = #tpu.core_type<tc>, window_params = [{transform_indices = @transform_0, window_bounds = array<i64: 1024, 2048>}, {pipeline_mode = #tpu.pipeline_mode<synchronous>, transform_indices = @transform_1, window_bounds = array<i64: 16, 2048>}, {transform_indices = @transform_2, window_bounds = array<i64: 1024, 16>}]} {
    %get3A = arith.constant 0 : index
    %get3A_0 = arith.constant 0 : index
    %get3A_1 = vector.load %arg1[%get3A, %get3A_0] : memref<1024x2048xf32, #tpu.memory_space<vmem>>, vector<1024x2048xf32>
    %get3A_2 = arith.constant 0 : index
    %get3A_3 = arith.constant 0 : index
    %get3A_4 = vector.load %arg2[%get3A_2, %get3A_3] : memref<16x2048xf32, #tpu.memory_space<vmem>>, vector<16x2048xf32>
    %dot_general3A = arith.constant dense<0.000000e+00> : vector<1024x16xf32>
    %dot_general3A_5 = tpu.matmul %get3A_1, %get3A_4, %dot_general3A {dimension_numbers = #tpu.dot_dimension_numbers<[1], [1], [0], [0], [0, 0, 1, 0], [], []>, transpose_lhs_hint = false} : vector<1024x2048xf32>, vector<16x2048xf32>, vector<1024x16xf32> -> vector<1024x16xf32>
    %swap3A = arith.constant 0 : index
    %swap3A_6 = arith.constant 0 : index
    %swap3A_7 = vector.load %arg3[%swap3A, %swap3A_6] : memref<1024x16xf32, #tpu.memory_space<vmem>>, vector<1024x16xf32>
    tpu.vector_store %arg3[%swap3A, %swap3A_6], %dot_general3A_5 {strides = array<i32>} : memref<1024x16xf32, #tpu.memory_space<vmem>>, vector<1024x16xf32>,
    return
  }
  func.func @transform_0(%arg0: i32) -> (i32, i32) {
    %c0_i32 = arith.constant 0 : i32
    %c0_i32_0 = arith.constant 0 : i32
    return %arg0, %c0_i32 : i32, i32
  }
  func.func @transform_1(%arg0: i32) -> (i32, i32) {
    %c0_i32 = arith.constant 0 : i32
    %c0_i32_0 = arith.constant 0 : i32
    %c0_i32_1 = arith.constant 0 : i32
    return %c0_i32, %c0_i32_0 : i32, i32
  }
  func.func @transform_2(%arg0: i32) -> (i32, i32) {
    %c0_i32 = arith.constant 0 : i32
    %c0_i32_0 = arith.constant 0 : i32
    return %arg0, %c0_i32 : i32, i32
  }
}

</mosaic_0001>

<sc_bundles>
// kernel: kernel.4.cloned.1.call-start
scs
__scs_entry_jumppad:
0x0: {  	(pc) =	sbr.rel $0x88, $3  }
0x1: {  	(tag) =	ssettag $0x0;
	lr =	simm.s32 $0x1  }
0x2: {  	[smem:$0x3F9F] =	sst lr;
	_ =	strace $0xD0000000  }
0x3: {  	_ = 	snop  }
0x4: {  	_ = 	snop  }
0x5: {  	_ = 	snop  }
0x6: {  	_ = 	snop  }
0x7: {  	_ = 	snop  }
__scs_overlays_trampoline_lowered:
0x8: {  	[smem:$0x3FAE] =	sst s0  }
0x9: {  	[smem:$0x3FAF] =	sst s1  }
0xa: {  	[smem:$0x3FB0] =	sst s2  }
0xb: {  	[smem:$0x3FB1] =	sst s3  }
0xc: {  	[smem:$0x3FB2] =	sst s4  }
0xd: {  	[smem:$0x3FB3] =	sst s5  }
0xe: {  	[smem:$0x3FB4] =	sst s6  }
0xf: {  	[smem:$0x3FB5] =	sst s7  }
0x10: {  	[smem:$0x3FB6] =	sst s8  }
0x11: {  	[smem:$0x3FB7] =	sst s9;
	s0 =	simm.s32 @!p0 $0x0  }
0x12: {  	s1 =	sld [smem:$0x3F9D];
	s0 =	simm.s32 @p0 $0x1  }
0x13: {  	[smem:$0x3FB8] =	sst s0;
	s0 =	simm.s32 @!p1 $0x0  }
0x14: {  	s2 =	sld [smem:$0x3F9C];
	s0 =	simm.s32 @p1 $0x1  }
0x15: {  	[smem:$0x3FB9] =	sst s0;
	s0 =	simm.s32 @!p2 $0x0  }
0x16: {  	s3 =	sld [smem:$0x3FDB];
	s0 =	simm.s32 @p2 $0x1  }
0x17: {  	s4 =	simm.s32 $0x1BF5;
	[smem:$0x3FBB] =	sst s0  }
0x18: {  	s0 =	sld [smem:$0x3F9E];
	_ =	swait.ge [sflag:s4], $0x0  }
0x19: {  	s7 =	sld [smem:$0x3F9F]  }
0x1a: {  	s8 =	sadd.s32 $0xFFFFE003, lr  }
0x1b: {  	s9 =	sadd.s32 $0xFFFFFEF7, lr;
	s5 =	simm.s32 $0xFFFFFFFF;
	p2 =	slt.u32 s8, $0xFFFFF086  }
0x1c: {  	p1 =	slt.u32 s9, $0xF7A;
	s5 =	simm.s32 @!p2 $0x0  }
0x1d: {  	s5 =	simm.s32 @p1 $0x1;
	p0 =	seq.s32 s7, s2  }
0x1e: {  	s7 =	smul.u32 @!p0 $0xF7A, s2;
	p2 =	seq.s32 @!p0 s5, $0x0  }
0x1f: {  	s9 =	smul.u32 $0xF7A, s1;
	s8 =	simm.s32 @!p0 $0x1BF5;
	p2 =	por !p2, p0  }
0x20: {  	[sflag:s8] =	ssyncset.s32 @!p0 $0xFFFFF086;
	s6 =	sadd.s32 @!p0 s3, s7;
	s7 =	simm.s32 @!p0 $0x108  }
0x21: {  	s3 =	sadd.s32 s3, s9;
	s6 =	sadd.s32 @!p0 $0x88, s6;
	s7 =	simm.s32 @p2 $0x1082  }
0x22: {  	[simem:s7], [sflag:s8] =	dma.local @!p0 [hbm:s6], $0xF7A  }
0x23: {  	s9 =	sor.u32 $0xD0000000, s2;
	s6 =	simm.s32 $0x108;
	_ =	swait.ge @!p0 [sflag:s8], $0x0  }
0x24: {  	s3 =	sadd.s32 $0x88, s3;
	s6 =	simm.s32 @!p1 $0x1082;
	[sflag:s4] =	ssyncset.s32 $0xFFFFF086  }
0x25: {  	[simem:s6], [sflag:s4] =	dma.local [hbm:s3], $0xF7A  }
0x26: {  	[smem:$0x3F9F] =	sst s1;
	(tag) =	ssettag s2;
	_ =	strace s9  }
0x27: {  	s1 =	sld [smem:$0x3FAF]  }
0x28: {  	s2 =	sld [smem:$0x3FB0]  }
0x29: {  	s4 =	sld [smem:$0x3FB2]  }
0x2a: {  	p0 =	seq.s32 s5, $0x0;
	s5 =	sld [smem:$0x3FB3]  }
0x2b: {  	s6 =	sld [smem:$0x3FB4]  }
0x2c: {  	s7 =	sld [smem:$0x3FB5]  }
0x2d: {  	s3 =	simm.s32 $0x108;
	s8 =	sld [smem:$0x3FB6]  }
0x2e: {  	s3 =	simm.s32 @!p0 $0x1082;
	s9 =	sld [smem:$0x3FB7]  }
0x2f: {  	lr =	sadd.s32 s0, s3;
	s0 =	sld [smem:$0x3FAE]  }
0x30: {  	s3 =	sld [smem:$0x3FB1]  }
0x31: {  	[smem:$0x3FBA] =	sst s10  }
0x32: {  	s10 =	sld [smem:$0x3FB8];
	_ =	sdelay $0x3  }
0x33: {  	p0 =	seq.s32 s10, $0x1;
	s10 =	sld [smem:$0x3FBA];
	_ =	sdelay $0x3  }
0x34: {  	[smem:$0x3FBA] =	sst s10  }
0x35: {  	s10 =	sld [smem:$0x3FB9];
	_ =	sdelay $0x3  }
0x36: {  	p1 =	seq.s32 s10, $0x1;
	s10 =	sld [smem:$0x3FBA];
	_ =	sdelay $0x3  }
0x37: {  	[smem:$0x3FBA] =	sst s10  }
0x38: {  	s10 =	sld [smem:$0x3FBB]  }
0x39: {  	_ = 	snop;
	(pc) =	sbr.ind lr, $3  }
0x3a: {  	_ = 	snop  }
0x3b: {  	_ = 	snop  }
0x3c: {  	p2 =	seq.s32 s10, $0x1;
	s10 =	sld [smem:$0x3FBA]  }
0x3d: {  	_ =	shalt  }
0x3e: {  	_ =	shalt  }
0x3f: {  	_ =	shalt  }
0x40: {  	_ =	shalt  }
0x41: {  	_ =	shalt  }
0x42: {  	_ =	shalt  }
0x43: {  	_ =	shalt  }
0x44: {  	_ =	shalt  }
0x45: {  	_ =	shalt  }
0x46: {  	_ =	shalt  }
0x47: {  	_ =	shalt  }
0x48: {  	_ =	shalt  }
0x49: {  	_ =	shalt  }
0x4a: {  	_ =	shalt  }
0x4b: {  	_ =	shalt  }
0x4c: {  	_ =	shalt  }
0x4d: {  	_ =	shalt  }
0x4e: {  	_ =	shalt  }
0x4f: {  	_ =	shalt  }
0x50: {  	_ =	shalt  }
0x51: {  	_ =	shalt  }
0x52: {  	_ =	shalt  }
0x53: {  	_ =	shalt  }
0x54: {  	_ =	shalt  }
0x55: {  	_ =	shalt  }
0x56: {  	_ =	shalt  }
0x57: {  	_ =	shalt  }
0x58: {  	_ =	shalt  }
0x59: {  	_ =	shalt  }
0x5a: {  	_ =	shalt  }
0x5b: {  	_ =	shalt  }
0x5c: {  	_ =	shalt  }
0x5d: {  	_ =	shalt  }
0x5e: {  	_ =	shalt  }
0x5f: {  	_ =	shalt  }
0x60: {  	_ =	shalt  }
0x61: {  	_ =	shalt  }
0x62: {  	_ =	shalt  }
0x63: {  	_ =	shalt  }
0x64: {  	_ =	shalt  }
0x65: {  	_ =	shalt  }
0x66: {  	_ =	shalt  }
0x67: {  	_ =	shalt  }
0x68: {  	_ =	shalt  }
0x69: {  	_ =	shalt  }
0x6a: {  	_ =	shalt  }
0x6b: {  	_ =	shalt  }
0x6c: {  	_ =	shalt  }
0x6d: {  	_ =	shalt  }
0x6e: {  	_ =	shalt  }
0x6f: {  	_ =	shalt  }
0x70: {  	_ =	shalt  }
0x71: {  	_ =	shalt  }
0x72: {  	_ =	shalt  }
0x73: {  	_ =	shalt  }
0x74: {  	_ =	shalt  }
0x75: {  	_ =	shalt  }
0x76: {  	_ =	shalt  }
0x77: {  	_ =	shalt  }
0x78: {  	_ =	shalt  }
0x79: {  	_ =	shalt  }
0x7a: {  	_ =	shalt  }
0x7b: {  	_ =	shalt  }
0x7c: {  	_ =	shalt  }
0x7d: {  	_ =	shalt  }
0x7e: {  	_ =	shalt  }
0x7f: {  	_ =	shalt  }
0x80: {  	_ =	shalt  }
0x81: {  	_ =	shalt  }
0x82: {  	_ =	shalt  }
0x83: {  	_ =	shalt  }
0x84: {  	_ =	shalt  }
0x85: {  	_ =	shalt  }
0x86: {  	_ =	shalt  }
0x87: {  	_ =	shalt  }
.Lfunc_end0:
.L_simem_size_0:
called_computation_lowered:
.L_overlay_start_0:
0x88: {  	s2 =	sld [smem:$0x3FD9]  }
0x89: {  	s3 =	sld [smem:$0x3FFE];
	_ =	sdelay $0x1  }
0x8a: {  	s1 =	srdreg.scid  }
0x8b: {  	s0 =	sand.u32 $0x1, s1  }
0x8c: {  	s14 =	sshll.u32 s0, $0xA;
	s2 =	sadd.s32 s3, s2  }
0x8d: {  	s2 =	sadd.s32 s2, s14  }
0x8e: {  	[smem:$0x3FC6] =	sst s2  }
0x8f: {  	_ = 	snop  }
0x90: {  	s2 =	sld [smem:$0x3FD0];
	_ =	sdelay $0x2  }
0x91: {  	s15 =	simm.s32 $0xA;
	s4 =	simm.s32 $0x10  }
0x92: {  	[smem:s4], [sflag:s15] =	dma.local [hbm:s2], $0x1  }
0x93: {  	_ =	swait.eq [sflag:s15], $0x1  }
0x94: {  	[sflag:s15] =	ssyncset.done $0x0  }
0x95: {  	[sflag:s15] =	ssyncadd.s32 $0xFFFFFFFF  }
0x96: {  	s16 =	sld [smem:$0x11];
	(tm) =	ssettm $0x1  }
0x97: {  	s17 =	sld [smem:$0x3FFB];
	_ =	sdelay $0x3  }
0x98: {  	_ =	strace s17  }
0x99: {  	s3 =	sld [smem:$0x3FFC];
	_ =	sdelay $0x3  }
0x9a: {  	_ =	strace s3  }
0x9b: {  	s3 =	sld [smem:$0x3FFD];
	_ =	sdelay $0x3  }
0x9c: {  	_ =	strace s3  }
0x9d: {  	_ =	strace $0x8FFFFFFF  }
0x9e: {  	s18 =	sld [smem:$0x3FDB];
	_ =	sdelay $0x1  }
0x9f: {  	s19 =	simm.s32 $_scs_section_size  }
0xa0: {  	s5 =	simm.s32 $_size__tile_overlayer_lowered;
	s6 =	simm.s32 $_tile_overlayer_lowered  }
0xa1: {  	s22 =	simm.s32 $0x1BFF;
	s21 =	sshll.u32 s6, $0x1;
	s3 =	sadd.s32 s19, s18  }
0xa2: {  	s7 =	simm.s32 $0x0;
	s20 =	sshll.u32 s5, $0x1;
	s5 =	sadd.s32 s21, s3  }
0xa3: {  	[timem:s7], [sflag:s22] =	dma.local [hbm:s5], s20  }
0xa4: {  	_ =	swait.ge [sflag:s22], s20  }
0xa5: {  	s4 =	ssub.s32 $0x0, s20;
	[sflag:s22] =	ssyncset.done $0x0  }
0xa6: {  	[sflag:s22] =	ssyncadd.s32 s4;
	_ =	sdelay $0x1  }
0xa7: {  	s23 =	simm.s32 $0x1B8B  }
0xa8: {  	_ =	swait.ge [sflag:s23], $0x1  }
0xa9: {  	[sflag:s23] =	ssyncset.done $0x0  }
0xaa: {  	s25 =	simm.s32 $0x1B8E;
	s24 =	sld [smem:$0x3FFE];
	[sflag:s23] =	ssyncadd.s32 $0xFFFFFFFF  }
0xab: {  	s26 =	simm.s32 $execute0_lowered;
	[smem:$0x3FD2] =	sst s25  }
0xac: {  	s5 =	sshll.u32 s26, $0x1;
	_ =	strace $0x80000046;
	[dreg:$0x1] =	wrdreg $0xFFFFFFFF  }
0xad: {  	s28 =	simm.s32 $_size_execute0_lowered;
	s3 =	sadd.s32 s3, s5;
	[dreg:$0x0] =	wrdreg $0x0  }
0xae: {  	s5 =	sshll.u32 s28, $0x1;
	[dreg:$0x2] =	wrdreg s3  }
0xaf: {  	[dreg:$0x3] =	wrdreg s5  }
0xb0: {  	[dreg:$0x4] =	wrdreg $0xC0  }
0xb1: {  	_ =	task [dreg:s7], $0x5FFFF  }
0xb2: {  	[dreg:$0x1] =	wrdreg $0xFFFFFFFF  }
0xb3: {  	[dreg:$0x0] =	wrdreg $0x60  }
0xb4: {  	[dreg:$0x2] =	wrdreg s24  }
0xb5: {  	[dreg:$0x3] =	wrdreg s16  }
0xb6: {  	[dreg:$0x4] =	wrdreg $0x9  }
0xb7: {  	_ =	task.clear_ibuf [dreg:s7], $0x5FFFF;
	_ =	strace $0x90000046  }
0xb8: {  	s29 =	simm.s32 $0x9;
	_ =	strace $0x80000048  }
0xb9: {  	_ =	swait.ge [sflag:s29], $0x1  }
0xba: {  	[sflag:s29] =	ssyncadd.s32 $0xFFFFFFFF  }
0xbb: {  	_ =	strace $0x90000048  }
0xbc: {  	_ =	sfence  }
0xbd: {  	s30 =	sld [smem:$0x0];
	_ =	sdelay $0x2  }
0xbe: {  	s31 =	sshll.u32 s1, $0xD;
	s1 =	sshrl.u32 s1, $0x2  }
0xbf: {  	s3 =	sand.u32 $0x4000, s31;
	s1 =	sadd.s32 s1, s30  }
0xc0: {  	s0 =	sor.u32 s3, s0;
	s1 =	sshll.u32 s1, $0x11  }
0xc1: {  	s0 =	sor.u32 s1, s0  }
0xc2: {  	s0 =	sadd.s32 $0x8F2B, s0  }
0xc3: {  	[sflag:s0] =	ssyncadd.remote.s32 $0x1  }
0xc4: {  	_ =	sfence.sel $0xFFFF  }
0xc5: {  	[dreg:$0x0] =	wrdreg $0xFFFFFFFF;
	(pc) =	sbr.abs _section_cstart, $3  }
0xc6: {  	[dreg:$0x1] =	wrdreg $0xFFFFFFFF  }
0xc7: {  	_ =	task.clear_ibuf [dreg:s7], $0x2FFFF;
	_ =	strace $0x9FFFFFFF  }
0xc8: {  	(tm) =	ssettm $0x7FFFFFFF  }
0xc9: {  	_ =	shalt  }
tec
execute0_lowered:
.L_overlay_start_1:
0x0: {  	(tag) =	ssettag $0x1  }
0x1: {  	s3 =	rddreg [dreg:$0x0]  }
0x2: {  	s5 =	rddreg [dreg:$0x1]  }
0x3: {  	s2 =	srdreg.scid;
	s1 =	stileid.u32  }
0x4: {  	s0 =	rddreg [dreg:$0x2];
	s9 =	simm.s32 $0x10000;
	s10 =	simm.s32 $0x0  }
0x5: {  	s4 =	sand.u32 $0x1, s2;
	s6 =	sshll.u32 s1, $0x1;
	s2 =	simm.s32 $0x0  }
0x6: {  	s6 =	sor.u32 s4, s6;
	s4 =	ssub.s32 $0x2, s4;
	[smem:$0x7FF] =	sst s2  }
0x7: {  	s7 =	sshll.u32 s6, $0xC;
	s8 =	sshrl.u32 s4, $0x1;
	_ =	strace $0x80000047  }
0x8: {  	s6 =	sshll.u32 s6, $0x6;
	s7 =	sadd.s32 s7, s3;
	s8 =	ssub.s32 s4, s8  }
0x9: {  	s5 =	sadd.s32 s5, s6;
	s3 =	sadd.s32 $0xE00, s7;
	s4 =	sadd.s32 $0x20E00, s7  }
0xa: {  	v0 =	vlaneseq.u32;
	v1 =	vimm.s32 $0x0;
	v2 =	vimm.f32 $0.0e+00;
	s6 =	smax.u32 s8, $0x1;
	s7 =	simm.s32 $0x1;
	s8 =	simm.s32 $0x8000  }
.LBB2_1:
0xb: {  	s11 =	simm.s32 $0x10  }
0xc: {  	v3 =	vor.u32 s11, v0  }
0xd: {  	v9 =	vshll.u32 v3, $0x7  }
0xe: {  	[tilespmem:s2], [sflag:$0x1] =	stream.linear.gather [hbm4b:s3+s2], $0x8000, $0x38;
	v6 =	vor.u32 $0x1, v9;
	[tilespmem:$0x10200] =	vst v63  }
0xf: {  	_ =	swait.ge [sflag:s7], $0x8000;
	v8 =	vor.u32 $0x2, v9  }
0x10: {  	[sflag:s7] =	ssyncset.done $0x0;
	v10 =	vor.u32 $0x3, v9  }
0x11: {  	[sflag:s7] =	ssyncadd.s32 $0xFFFF8000;
	v11 =	vor.u32 $0x4, v9  }
0x12: {  	v13 =	vor.u32 $0x5, v9;
	v12 =	vld.idx.msk [tilespmem:v9+s2+$0x0], $0xffff  }
0x13: {  	v14 =	vor.u32 $0x6, v9;
	v6 =	vld.idx.msk [tilespmem:v6+s2+$0x0], $0xffff  }
0x14: {  	v15 =	vor.u32 $0x7, v9;
	v8 =	vld.idx.msk [tilespmem:v8+s2+$0x0], $0xffff  }
0x15: {  	v16 =	vor.u32 $0x8, v9;
	v10 =	vld.idx.msk [tilespmem:v10+s2+$0x0], $0xffff  }
0x16: {  	v17 =	vor.u32 $0x9, v9;
	v11 =	vld.idx.msk [tilespmem:v11+s2+$0x0], $0xffff  }
0x17: {  	v18 =	vor.u32 $0xA, v9;
	v13 =	vld.idx.msk [tilespmem:v13+s2+$0x0], $0xffff  }
0x18: {  	v19 =	vor.u32 $0xB, v9;
	v14 =	vld.idx.msk [tilespmem:v14+s2+$0x0], $0xffff;
	v20 =	vmax.f32 v12, v6  }
0x19: {  	v21 =	vor.u32 $0xC, v9;
	v15 =	vld.idx.msk [tilespmem:v15+s2+$0x0], $0xffff;
	v20 =	vmax.f32 v20, v8  }
0x1a: {  	v22 =	vor.u32 $0xD, v9;
	v16 =	vld.idx.msk [tilespmem:v16+s2+$0x0], $0xffff;
	v20 =	vmax.f32 v20, v10  }
0x1b: {  	v23 =	vld.idx.msk [tilespmem:v17+s2+$0x0], $0xffff;
	v17 =	vor.u32 $0xE, v9;
	v20 =	vmax.f32 v20, v11  }
0x1c: {  	v24 =	vld.idx.msk [tilespmem:v18+s2+$0x0], $0xffff;
	v18 =	vor.u32 $0xF, v9;
	v20 =	vmax.f32 v20, v13  }
0x1d: {  	v4 =	vor.u32 s2, v0;
	v19 =	vld.idx.msk [tilespmem:v19+s2+$0x0], $0xffff;
	v20 =	vmax.f32 v20, v14  }
0x1e: {  	v7 =	vshll.u32 v4, $0x7;
	v21 =	vld.idx.msk [tilespmem:v21+s2+$0x0], $0xffff;
	v20 =	vmax.f32 v20, v15  }
0x1f: {  	v25 =	vor.u32 $0x1, v7;
	v22 =	vld.idx.msk [tilespmem:v22+s2+$0x0], $0xffff;
	v20 =	vmax.f32 v20, v16  }
0x20: {  	v26 =	vor.u32 $0x2, v7;
	v29 =	vld.idx.msk [tilespmem:v17+s2+$0x0], $0xffff;
	v17 =	vmax.f32 v20, v23  }
0x21: {  	v27 =	vor.u32 $0x3, v7;
	v30 =	vld.idx.msk [tilespmem:v18+s2+$0x0], $0xffff;
	v17 =	vmax.f32 v17, v24  }
0x22: {  	v28 =	vor.u32 $0x4, v7;
	v17 =	vmax.f32 v17, v19  }
0x23: {  	v5 =	vld.idx.msk [tilespmem:v7+s2+$0x0], $0xffff;
	v17 =	vmax.f32 v17, v21  }
0x24: {  	v25 =	vld.idx.msk [tilespmem:v25+s2+$0x0], $0xffff;
	v20 =	vor.u32 $0x5, v7;
	v17 =	vmax.f32 v17, v22  }
0x25: {  	v26 =	vld.idx.msk [tilespmem:v26+s2+$0x0], $0xffff;
	v18 =	vor.u32 $0x6, v7;
	v17 =	vmax.f32 v17, v29  }
0x26: {  	v31 =	vor.u32 $0x7, v7;
	v27 =	vld.idx.msk [tilespmem:v27+s2+$0x0], $0xffff;
	v32 =	vmax.f32 v17, v30  }
0x27: {  	v28 =	vld.idx.msk [tilespmem:v28+s2+$0x0], $0xffff;
	v17 =	vor.u32 $0x8, v7;
	v12 =	vsub.f32 v12, v32  }
0x28: {  	v48 =	vor.u32 $0x9, v7;
	v6 =	vsub.f32 v6, v32  }
0x29: {  	v35 =	vor.u32 $0xA, v7;
	v33 =	vmax.f32 v5, v25;
	v20 =	vld.idx.msk [tilespmem:v20+s2+$0x0], $0xffff;
	v12 =	vmul.f32 $1.442695020e+00, v12  }
0x2a: {  	v34 =	vld.idx.msk [tilespmem:v18+s2+$0x0], $0xffff;
	v18 =	vmax.f32 v33, v26;
	v8 =	vsub.f32 v8, v32;
	v6 =	vmul.f32 $1.442695020e+00, v6  }
0x2b: {  	v31 =	vld.idx.msk [tilespmem:v31+s2+$0x0], $0xffff;
	v18 =	vmax.f32 v18, v27;
	v10 =	vsub.f32 v10, v32;
	(erf) = vpow2.f32 v12  }
0x2c: {  	v18 =	vmax.f32 v18, v28;
	v8 =	vmul.f32 $1.442695020e+00, v8;
	v36 =	vld.idx.msk [tilespmem:v17+s2+$0x0], $0xffff;
	(erf) = vpow2.f32 v6  }
0x2d: {  	v33 =	vld.idx.msk [tilespmem:v48+s2+$0x0], $0xffff;
	v11 =	vsub.f32 v11, v32;
	v13 =	vsub.f32 v13, v32;
	v10 =	vmul.f32 $1.442695020e+00, v10  }
0x2e: {  	v18 =	vmax.f32 v18, v20;
	v6 =	vor.u32 $0xB, v7;
	(erf) = vpow2.f32 v8  }
0x2f: {  	v11 =	vmul.f32 $1.442695020e+00, v11;
	v12 =	vmax.f32 v18, v34;
	v8 =	vor.u32 $0xC, v7  }
0x30: {  	v35 =	vld.idx.msk [tilespmem:v35+s2+$0x0], $0xffff;
	v12 =	vmax.f32 v12, v31;
	(erf) = vpow2.f32 v10;
	v10 =	vor.u32 $0xD, v7  }
0x31: {  	v14 =	vsub.f32 v14, v32;
	v13 =	vmul.f32 $1.442695020e+00, v13;
	v12 =	vmax.f32 v12, v36  }
0x32: {  	(erf) = vpow2.f32 v11;
	v11 =	vor.u32 $0xE, v7;
	v17 =	vmax.f32 v12, v33  }
0x33: {  	v6 =	vld.idx.msk [tilespmem:v6+s2+$0x0], $0xffff  }
0x34: {  	(erf) = vpow2.f32 v13;
	v37 =	vld.idx.msk [tilespmem:v8+s2+$0x0], $0xffff;
	v8 =	vmul.f32 $1.442695020e+00, v14;
	v14 =	vsub.f32 v15, v32;
	v12 =	vpop (erf)  }
0x35: {  	v16 =	vsub.f32 v16, v32;
	v13 =	vor.u32 $0xF, v7;
	v15 =	vmax.f32 v17, v35;
	v38 =	vld.idx.msk [tilespmem:v10+s2+$0x0], $0xffff;
	v17 =	vpop (erf)  }
0x36: {  	v10 =	vmul.f32 $1.442695020e+00, v14;
	(erf) = vpow2.f32 v8;
	v14 =	vadd.f32 v17, v12  }
0x37: {  	v23 =	vsub.f32 v23, v32;
	v39 =	vld.idx.msk [tilespmem:v11+s2+$0x0], $0xffff;
	v11 =	vmul.f32 $1.442695020e+00, v16;
	v18 =	vpop (erf)  }
0x38: {  	v8 =	vmax.f32 v15, v6;
	(erf) = vpow2.f32 v10;
	v14 =	vadd.f32 v14, v18  }
0x39: {  	v16 =	vmul.f32 $1.442695020e+00, v23;
	v10 =	vsub.f32 v24, v32;
	v8 =	vmax.f32 v8, v37;
	v15 =	vpop (erf)  }
0x3a: {  	v24 =	vld.idx.msk [tilespmem:v13+s2+$0x0], $0xffff;
	(erf) = vpow2.f32 v11;
	v8 =	vmax.f32 v8, v38;
	v14 =	vadd.f32 v14, v15  }
0x3b: {  	v11 =	vsub.f32 v19, v32;
	v13 =	vpop (erf)  }
0x3c: {  	v10 =	vmul.f32 $1.442695020e+00, v10;
	(erf) = vpow2.f32 v16;
	v14 =	vadd.f32 v14, v13  }
0x3d: {  	v21 =	vsub.f32 v21, v32;
	v16 =	vmax.f32 v8, v39;
	v8 =	vpop (erf)  }
0x3e: {  	v11 =	vmul.f32 $1.442695020e+00, v11;
	(erf) = vpow2.f32 v10;
	v14 =	vadd.f32 v14, v8  }
0x3f: {  	v23 =	vmax.f32 v16, v24;
	v19 =	vpop (erf)  }
0x40: {  	v16 =	vmul.f32 $1.442695020e+00, v21;
	(erf) = vpow2.f32 v11;
	v14 =	vadd.f32 v14, v19  }
0x41: {  	v10 =	vsub.f32 v22, v32;
	v5 =	vsub.f32 v5, v23;
	v22 =	vpop (erf)  }
0x42: {  	v11 =	vsub.f32 v29, v32;
	(erf) = vpow2.f32 v16;
	v14 =	vadd.f32 v14, v22  }
0x43: {  	v10 =	vmul.f32 $1.442695020e+00, v10;
	v5 =	vmul.f32 $1.442695020e+00, v5;
	v16 =	vsub.f32 v25, v23;
	v21 =	vpop (erf)  }
0x44: {  	v25 =	vsub.f32 v30, v32;
	v11 =	vmul.f32 $1.442695020e+00, v11;
	v14 =	vadd.f32 v14, v21  }
0x45: {  	(erf) = vpow2.f32 v10;
	v10 =	vmul.f32 $1.442695020e+00, v16;
	v16 =	vsub.f32 v26, v23;
	v26 =	vpop (erf)  }
0x46: {  	(erf) = vpow2.f32 v5;
	v14 =	vadd.f32 v14, v26  }
0x47: {  	v5 =	vmul.f32 $1.442695020e+00, v25;
	(erf) = vpow2.f32 v11;
	v11 =	vsub.f32 v27, v23;
	v49 =	vpop (erf)  }
0x48: {  	(erf) = vpow2.f32 v10;
	v10 =	vmul.f32 $1.442695020e+00, v16;
	v14 =	vadd.f32 v14, v49  }
0x49: {  	v16 =	vsub.f32 v20, v23;
	(erf) = vpow2.f32 v5;
	v11 =	vmul.f32 $1.442695020e+00, v11;
	v40 =	vpop (erf)  }
0x4a: {  	(erf) = vpow2.f32 v10;
	v10 =	vsub.f32 v34, v23;
	v14 =	vadd.f32 v14, v40  }
0x4b: {  	v20 =	vsub.f32 v31, v23;
	v5 =	vsub.f32 v28, v23;
	v31 =	vpop (erf)  }
0x4c: {  	(erf) = vpow2.f32 v11;
	v11 =	vmul.f32 $1.442695020e+00, v10;
	v10 =	vadd.f32 v14, v31  }
0x4d: {  	v5 =	vmul.f32 $1.442695020e+00, v5  }
0x4e: {  	v25 =	vsub.f32 v35, v23;
	v16 =	vmul.f32 $1.442695020e+00, v16  }
0x4f: {  	(erf) = vpow2.f32 v5;
	v5 =	vmul.f32 $1.442695020e+00, v20;
	v50 =	vpop (erf);
	v14 =	vsub.f32 v36, v23  }
0x50: {  	(erf) = vpow2.f32 v16;
	v16 =	vsub.f32 v33, v23;
	v20 =	vadd.f32 v10, v50;
	v10 =	vpop (erf)  }
0x51: {  	v14 =	vmul.f32 $1.442695020e+00, v14;
	(erf) = vpow2.f32 v11;
	v51 =	vpop (erf)  }
0x52: {  	(erf) = vpow2.f32 v5;
	v5 =	vmul.f32 $1.442695020e+00, v16;
	v16 =	vadd.f32 v20, v51;
	v11 =	vpop (erf)  }
0x53: {  	v20 =	vmul.f32 $1.442695020e+00, v25;
	(erf) = vpow2.f32 v14;
	v25 =	vpop (erf);
	v14 =	vadd.f32 v11, v10  }
0x54: {  	v28 =	vpop (erf)  }
0x55: {  	(erf) = vpow2.f32 v5;
	v16 =	vadd.f32 v16, v25;
	v5 =	vadd.f32 v14, v28  }
0x56: {  	(erf) = vpow2.f32 v20;
	v30 =	vpop (erf)  }
0x57: {  	(erf) = vrcp.f32 v16;
	v5 =	vadd.f32 v5, v30  }
0x58: {  	v6 =	vsub.f32 v6, v23;
	v29 =	vpop (erf)  }
0x59: {  	v14 =	vsub.f32 v37, v23;
	v5 =	vadd.f32 v5, v29  }
0x5a: {  	v6 =	vmul.f32 $1.442695020e+00, v6;
	v27 =	vpop (erf)  }
0x5b: {  	v20 =	vpop (erf);
	v5 =	vadd.f32 v5, v27  }
0x5c: {  	v52 =	vsub.f32 v38, v23;
	v16 =	vpop (erf)  }
0x5d: {  	v37 =	vmul.f32 $1.442695020e+00, v14;
	v14 =	vpop (erf)  }
0x5e: {  	v53 =	vsub.f32 v39, v23;
	v35 =	vmul.f32 $1.442695020e+00, v52;
	(erf) = vpow2.f32 v6;
	v6 =	vpop (erf)  }
0x5f: {  	v23 =	vsub.f32 v24, v23;
	(erf) = vpow2.f32 v37;
	v24 =	vadd.f32 v5, v20;
	v5 =	vpop (erf)  }
0x60: {  	v36 =	vmul.f32 $1.442695020e+00, v53;
	(erf) = vpow2.f32 v35;
	v54 =	vpop (erf)  }
0x61: {  	v55 =	vmul.f32 v54, v12;
	v17 =	vmul.f32 v54, v17  }
0x62: {  	v23 =	vmul.f32 $1.442695020e+00, v23;
	(erf) = vpow2.f32 v36  }
0x63: {  	v24 =	vadd.f32 v24, v16;
	vm0 =	vgt.f32 v17, v55;
	vm2 =	vgt.f32 v17, $-1.000000000e+00  }
0x64: {  	v18 =	vmul.f32 v54, v18;
	vm3 =	vmneg vm0;
	v12 =	vnsel vm2, $0xBF800000, v17  }
0x65: {  	(erf) = vpow2.f32 v23;
	v23 =	vadd.f32 v24, v14;
	v24 =	vsel vm3, v12, v55  }
0x66: {  	v17 =	vsel vm3, v55, v17;
	vm4 =	vgt.f32 v18, v24  }
0x67: {  	v15 =	vmul.f32 v54, v15;
	vm1 =	vgt.f32 v18, v17;
	v24 =	vsel vm4, v18, v24  }
0x68: {  	v25 =	vmul.f32 v54, v25;
	v34 =	vmul.f32 v54, v50;
	v24 =	vsel vm1, v17, v24  }
0x69: {  	v13 =	vmul.f32 v54, v13;
	v17 =	vsel vm1, v18, v17;
	vm5 =	vgt.f32 v15, v24  }
0x6a: {  	v22 =	vmul.f32 v54, v22;
	vm6 =	vgt.f32 v15, v17;
	v18 =	vsel vm5, v15, v24  }
0x6b: {  	v8 =	vmul.f32 v54, v8;
	v21 =	vmul.f32 v54, v21;
	v18 =	vsel vm6, v17, v18  }
0x6c: {  	vm2 =	vmand vm3, vm2;
	v15 =	vsel vm6, v15, v17;
	vm7 =	vgt.f32 v13, v18  }
0x6d: {  	v24 =	vmul.f32 v54, v26;
	vm8 =	vgt.f32 v13, v15;
	v18 =	vsel vm7, v13, v18  }
0x6e: {  	v26 =	vsel vm2, $0x1, v1;
	v17 =	vmul.f32 v54, v19;
	v18 =	vsel vm8, v15, v18  }
0x6f: {  	v19 =	vsel vm0, $0x1, v1;
	v13 =	vsel vm8, v13, v15;
	vm0 =	vgt.f32 v8, v18  }
0x70: {  	v15 =	vsel vm4, $0x2, v26;
	vm2 =	vgt.f32 v8, v13;
	v18 =	vsel vm0, v8, v18  }
0x71: {  	v15 =	vsel vm1, v19, v15;
	v19 =	vsel vm1, $0x2, v19;
	v18 =	vsel vm2, v13, v18  }
0x72: {  	v8 =	vsel vm2, v8, v13;
	v13 =	vsel vm5, $0x3, v15;
	vm1 =	vgt.f32 v17, v18  }
0x73: {  	vm3 =	vgt.f32 v17, v8;
	v13 =	vsel vm6, v19, v13;
	v15 =	vsel vm1, v17, v18  }
0x74: {  	v18 =	vsel vm6, $0x3, v19;
	v13 =	vsel vm7, $0x4, v13;
	v15 =	vsel vm3, v8, v15  }
0x75: {  	v19 =	vsel vm8, $0x4, v18;
	v8 =	vsel vm3, v17, v8;
	vm15 =	vgt.f32 v22, v15  }
0x76: {  	v13 =	vsel vm8, v18, v13;
	vm9 =	vgt.f32 v22, v8;
	v15 =	vsel vm15, v22, v15  }
0x77: {  	v17 =	vsel vm2, $0x5, v19;
	v13 =	vsel vm0, $0x5, v13;
	v15 =	vsel vm9, v8, v15  }
0x78: {  	v18 =	vsel vm3, $0x6, v17;
	v8 =	vsel vm9, v22, v8;
	vm10 =	vgt.f32 v21, v15  }
0x79: {  	v13 =	vsel vm2, v19, v13;
	vm0 =	vgt.f32 v21, v8;
	v15 =	vsel vm10, v21, v15  }
0x7a: {  	v19 =	vadd.f32 v23, v6;
	v13 =	vsel vm1, $0x6, v13;
	v15 =	vsel vm0, v8, v15  }
0x7b: {  	v13 =	vsel vm3, v17, v13;
	v8 =	vsel vm0, v21, v8;
	vm1 =	vgt.f32 v24, v15  }
0x7c: {  	v13 =	vsel vm15, $0x7, v13;
	vm2 =	vgt.f32 v24, v8;
	v15 =	vsel vm1, v24, v15  }
0x7d: {  	v17 =	vsel vm2, v24, v8;
	v15 =	vsel vm2, v8, v15;
	v8 =	vadd.f32 v19, v5  }
0x7e: {  	v32 =	vmul.f32 v54, v49;
	v22 =	vsel vm9, $0x7, v18;
	v13 =	vsel vm9, v18, v13  }
0x7f: {  	v56 =	vmul.f32 v54, v40;
	v23 =	vpop (erf);
	v21 =	vsel vm0, $0x8, v22;
	v13 =	vsel vm10, $0x8, v13  }
0x80: {  	v26 =	vsel vm2, $0x9, v21;
	vm11 =	vgt.f32 v32, v15;
	v18 =	vadd.f32 v8, v23  }
0x81: {  	v13 =	vsel vm0, v22, v13;
	vm3 =	vgt.f32 v32, v17;
	v15 =	vsel vm11, v32, v15;
	v8 =	vpop (erf)  }
0x82: {  	v24 =	vsel vm3, v32, v17;
	v15 =	vsel vm3, v17, v15;
	v17 =	vadd.f32 v18, v8  }
0x83: {  	v31 =	vmul.f32 v54, v31;
	v13 =	vsel vm1, $0x9, v13;
	v19 =	vsel vm3, $0xA, v26  }
0x84: {  	v13 =	vsel vm2, v21, v13;
	vm0 =	vgt.f32 v56, v24;
	vm12 =	vgt.f32 v56, v15;
	v18 =	vpop (erf)  }
0x85: {  	v13 =	vsel vm11, $0xA, v13;
	v15 =	vsel vm12, v56, v15;
	v57 =	vadd.f32 v17, v18  }
0x86: {  	v12 =	vmul.f32 v54, v51;
	v22 =	vsel vm0, $0xB, v19;
	v13 =	vsel vm3, v26, v13;
	v17 =	vpop (erf)  }
0x87: {  	v13 =	vsel vm12, $0xB, v13;
	v21 =	vsel vm0, v24, v15;
	v32 =	vadd.f32 v57, v17  }
0x88: {  	v24 =	vsel vm0, v56, v24;
	v13 =	vsel vm0, v19, v13;
	vm1 =	vgt.f32 v31, v21;
	v15 =	vpop (erf)  }
0x89: {  	vm2 =	vgt.f32 v31, v24;
	v21 =	vsel vm1, v31, v21;
	v32 =	vadd.f32 v32, v15  }
0x8a: {  	v26 =	vsel vm2, $0xC, v22;
	v13 =	vsel vm1, $0xC, v13;
	v21 =	vsel vm2, v24, v21  }
0x8b: {  	v24 =	vsel vm2, v31, v24;
	vm3 =	vgt.f32 v34, v21;
	(erf) = vrcp.f32 v32  }
0x8c: {  	v13 =	vsel vm2, v22, v13;
	vm0 =	vgt.f32 v34, v24;
	v19 =	vsel vm3, v34, v21  }
0x8d: {  	v21 =	vsel vm0, $0xD, v26;
	v22 =	vsel vm0, v34, v24;
	v19 =	vsel vm0, v24, v19  }
0x8e: {  	v13 =	vsel vm3, $0xD, v13;
	vm1 =	vgt.f32 v12, v22;
	vm2 =	vgt.f32 v12, v19  }
0x8f: {  	v13 =	vsel vm0, v26, v13;
	v24 =	vsel vm1, $0xE, v21;
	v19 =	vsel vm2, v12, v19  }
0x90: {  	v31 =	vsel vm1, v12, v22;
	v13 =	vsel vm2, $0xE, v13;
	v19 =	vsel vm1, v22, v19  }
0x91: {  	vm0 =	vgt.f32 v25, v31;
	v12 =	vsel vm1, v21, v13;
	vm1 =	vgt.f32 v25, v19  }
0x92: {  	v13 =	vsel vm0, $0xF, v24;
	v21 =	vshll.u32 v3, $0x1;
	v12 =	vsel vm1, $0xF, v12  }
0x93: {  	v26 =	vsel vm0, v25, v31;
	v3 =	vsel vm1, v25, v19;
	v12 =	vsel vm0, v24, v12  }
0x94: {  	s30 =	simm.s32 $0x30;
	v24 =	vor.u32 v9, v13;
	v25 =	vsel vm0, v31, v3;
	v22 =	vor.u32 v9, v12;
	v19 =	vpop (erf)  }
0x95: {  	v9 =	vmul.f32 v19, v10;
	v58 =	vmul.f32 v19, v11;
	v10 =	vor.u32 s30, v0  }
0x96: {  	v28 =	vmul.f32 v19, v28;
	v30 =	vmul.f32 v19, v30;
	v11 =	vshll.u32 v10, $0x7  }
0x97: {  	s31 =	simm.s32 $0x20;
	v29 =	vmul.f32 v19, v29;
	v27 =	vmul.f32 v19, v27;
	v31 =	vor.u32 $0x1, v11  }
0x98: {  	v34 =	vmul.f32 v19, v20;
	v20 =	vor.u32 s31, v0;
	v60 =	vor.u32 $0x2, v11  }
0x99: {  	vm0 =	vgt.f32 v58, v9;
	vm3 =	vgt.f32 v58, $-1.000000000e+00;
	v61 =	vor.u32 $0x3, v11  }
0x9a: {  	v62 =	vor.u32 $0x4, v11;
	vm13 =	vmneg vm0;
	v3 =	vnsel vm3, $0xBF800000, v58  }
0x9b: {  	v16 =	vmul.f32 v19, v16;
	v41 =	vor.u32 $0x6, v11;
	v59 =	vsel vm13, v3, v9;
	v63 =	vld.idx.msk [tilespmem:v11+s2+$0x0], $0xffff  }
0x9c: {  	v44 =	vor.u32 $0x7, v11;
	v47 =	vor.u32 $0x8, v11;
	vm14 =	vgt.f32 v28, v59;
	v31 =	vld.idx.msk [tilespmem:v31+s2+$0x0], $0xffff  }
0x9d: {  	v50 =	vor.u32 $0x9, v11;
	v33 =	vsel vm14, v28, v59;
	v59 =	vor.u32 $0x5, v11;
	v32 =	vld.idx.msk [tilespmem:v60+s2+$0x0], $0xffff  }
0x9e: {  	v52 =	vor.u32 $0xA, v11;
	v54 =	vor.u32 $0xC, v11;
	v9 =	vsel vm13, v9, v58;
	v35 =	vld.idx.msk [tilespmem:v61+s2+$0x0], $0xffff  }
0x9f: {  	v55 =	vor.u32 $0xD, v11;
	v56 =	vor.u32 $0xE, v11;
	vm8 =	vgt.f32 v28, v9;
	v36 =	vld.idx.msk [tilespmem:v62+s2+$0x0], $0xffff  }
0xa0: {  	v3 =	vshll.u32 v20, $0x7;
	v33 =	vsel vm8, v9, v33;
	v9 =	vsel vm8, v28, v9;
	v28 =	vld.idx.msk [tilespmem:v41+s2+$0x0], $0xffff  }
0xa1: {  	v57 =	vor.u32 $0xF, v11;
	vm3 =	vmand vm13, vm3;
	v39 =	vor.u32 $0x1, v3;
	v44 =	vld.idx.msk [tilespmem:v44+s2+$0x0], $0xffff  }
0xa2: {  	v40 =	vor.u32 $0x2, v3;
	v42 =	vor.u32 $0x3, v3;
	v43 =	vor.u32 $0x4, v3;
	v38 =	vld.idx.msk [tilespmem:v59+s2+$0x0], $0xffff  }
0xa3: {  	v45 =	vor.u32 $0x5, v3;
	v60 =	vor.u32 $0xB, v11;
	v47 =	vld.idx.msk [tilespmem:v47+s2+$0x0], $0xffff;
	v53 =	vmax.f32 v63, v31  }
0xa4: {  	v46 =	vor.u32 $0x6, v3;
	v48 =	vor.u32 $0x7, v3;
	v50 =	vld.idx.msk [tilespmem:v50+s2+$0x0], $0xffff;
	v53 =	vmax.f32 v53, v32  }
0xa5: {  	v49 =	vor.u32 $0x8, v3;
	v52 =	vld.idx.msk [tilespmem:v52+s2+$0x0], $0xffff;
	vm10 =	vgt.f32 v30, v33;
	v53 =	vmax.f32 v53, v35  }
0xa6: {  	v55 =	vld.idx.msk [tilespmem:v55+s2+$0x0], $0xffff;
	vm9 =	vgt.f32 v30, v9;
	v33 =	vsel vm10, v30, v33;
	v53 =	vmax.f32 v53, v36  }
0xa7: {  	v51 =	vor.u32 $0x9, v3;
	v58 =	vld.idx.msk [tilespmem:v3+s2+$0x0], $0xffff;
	v33 =	vsel vm9, v9, v33;
	v53 =	vmax.f32 v53, v38  }
0xa8: {  	v9 =	vsel vm9, v30, v9;
	vm11 =	vgt.f32 v29, v33;
	v30 =	vld.idx.msk [tilespmem:v60+s2+$0x0], $0xffff;
	v61 =	vmax.f32 v53, v28  }
0xa9: {  	vm1 =	vgt.f32 v29, v9;
	v33 =	vsel vm11, v29, v33;
	v53 =	vld.idx.msk [tilespmem:v54+s2+$0x0], $0xffff;
	v41 =	vmax.f32 v61, v44  }
0xaa: {  	v62 =	vsel vm3, $0x1, v1;
	v39 =	vld.idx.msk [tilespmem:v39+s2+$0x0], $0xffff;
	v33 =	vsel vm1, v9, v33;
	v41 =	vmax.f32 v41, v47  }
0xab: {  	v9 =	vsel vm1, v29, v9;
	v29 =	vld.idx.msk [tilespmem:v56+s2+$0x0], $0xffff;
	vm2 =	vgt.f32 v27, v33;
	v41 =	vmax.f32 v41, v50  }
0xac: {  	v56 =	vld.idx.msk [tilespmem:v57+s2+$0x0], $0xffff;
	vm5 =	vgt.f32 v27, v9;
	v33 =	vsel vm2, v27, v33;
	v41 =	vmax.f32 v41, v52  }
0xad: {  	v33 =	vsel vm5, v9, v33;
	v9 =	vsel vm5, v27, v9;
	v27 =	vmax.f32 v41, v30  }
0xae: {  	v37 =	vor.u32 $0xC, v3;
	v57 =	vsel vm14, $0x2, v62;
	v27 =	vmax.f32 v27, v53  }
0xaf: {  	v59 =	vld.idx.msk [tilespmem:v40+s2+$0x0], $0xffff;
	v40 =	vmax.f32 v58, v39;
	vm15 =	vgt.f32 v34, v33;
	v27 =	vmax.f32 v27, v55  }
0xb0: {  	vm12 =	vgt.f32 v34, v9;
	v33 =	vsel vm15, v34, v33;
	v27 =	vmax.f32 v27, v29  }
0xb1: {  	v54 =	vor.u32 $0xA, v3;
	v33 =	vsel vm12, v9, v33;
	v27 =	vmax.f32 v27, v56  }
0xb2: {  	v9 =	vsel vm12, v34, v9;
	vm13 =	vgt.f32 v16, v33;
	v63 =	vsub.f32 v63, v27  }
0xb3: {  	vm3 =	vgt.f32 v16, v9;
	v33 =	vsel vm13, v16, v33;
	v31 =	vsub.f32 v31, v27  }
0xb4: {  	v33 =	vsel vm3, v9, v33;
	v9 =	vsel vm3, v16, v9;
	v34 =	vmul.f32 $1.442695020e+00, v63  }
0xb5: {  	v42 =	vld.idx.msk [tilespmem:v42+s2+$0x0], $0xffff;
	v16 =	vor.u32 $0xB, v3;
	v32 =	vsub.f32 v32, v27;
	v31 =	vmul.f32 $1.442695020e+00, v31  }
0xb6: {  	v60 =	vld.idx.msk [tilespmem:v43+s2+$0x0], $0xffff;
	v43 =	vsub.f32 v35, v27;
	v35 =	vmax.f32 v40, v59;
	(erf) = vpow2.f32 v34  }
0xb7: {  	v40 =	vor.u32 $0xE, v3;
	v32 =	vmul.f32 $1.442695020e+00, v32;
	(erf) = vpow2.f32 v31  }
0xb8: {  	v45 =	vld.idx.msk [tilespmem:v45+s2+$0x0], $0xffff;
	v28 =	vsub.f32 v28, v27;
	v34 =	vmul.f32 $1.442695020e+00, v43;
	v43 =	vsub.f32 v38, v27  }
0xb9: {  	v61 =	vld.idx.msk [tilespmem:v46+s2+$0x0], $0xffff;
	v46 =	vsub.f32 v44, v27;
	v31 =	vsub.f32 v36, v27;
	(erf) = vpow2.f32 v32  }
0xba: {  	v48 =	vld.idx.msk [tilespmem:v48+s2+$0x0], $0xffff;
	v50 =	vsub.f32 v50, v27;
	v41 =	vmax.f32 v35, v42;
	v35 =	vmul.f32 $1.442695020e+00, v43  }
0xbb: {  	v62 =	vld.idx.msk [tilespmem:v49+s2+$0x0], $0xffff;
	v52 =	vsub.f32 v52, v27;
	v31 =	vmul.f32 $1.442695020e+00, v31;
	(erf) = vpow2.f32 v34  }
0xbc: {  	v28 =	vmul.f32 $1.442695020e+00, v28;
	v38 =	vld.idx.msk [tilespmem:v51+s2+$0x0], $0xffff;
	v32 =	vor.u32 $0xD, v3;
	v34 =	vmax.f32 v41, v60  }
0xbd: {  	v63 =	vsub.f32 v47, v27;
	v34 =	vmax.f32 v34, v45;
	(erf) = vpow2.f32 v31  }
0xbe: {  	v49 =	vmul.f32 $1.442695020e+00, v46;
	v51 =	vld.idx.msk [tilespmem:v54+s2+$0x0], $0xffff;
	v54 =	vmul.f32 $1.442695020e+00, v50;
	v34 =	vmax.f32 v34, v61  }
0xbf: {  	v16 =	vld.idx.msk [tilespmem:v16+s2+$0x0], $0xffff;
	v31 =	vor.u32 $0xF, v3;
	v34 =	vmax.f32 v34, v48;
	(erf) = vpow2.f32 v35;
	v35 =	vpop (erf)  }
0xc0: {  	v50 =	vld.idx.msk [tilespmem:v37+s2+$0x0], $0xffff;
	v34 =	vmax.f32 v34, v62;
	(erf) = vpow2.f32 v28;
	v28 =	vmul.f32 $1.442695020e+00, v63;
	v36 =	vpop (erf)  }
0xc1: {  	v32 =	vld.idx.msk [tilespmem:v32+s2+$0x0], $0xffff;
	(erf) = vpow2.f32 v49;
	v49 =	vmax.f32 v34, v38;
	v63 =	vadd.f32 v36, v35  }
0xc2: {  	(erf) = vpow2.f32 v28;
	v28 =	vsub.f32 v30, v27;
	v30 =	vmul.f32 $1.442695020e+00, v52;
	v37 =	vpop (erf)  }
0xc3: {  	v52 =	vld.idx.msk [tilespmem:v40+s2+$0x0], $0xffff;
	v49 =	vmax.f32 v49, v51;
	(erf) = vpow2.f32 v54;
	v63 =	vadd.f32 v63, v37  }
0xc4: {  	v54 =	vld.idx.msk [tilespmem:v31+s2+$0x0], $0xffff;
	v31 =	vmax.f32 v49, v16;
	(erf) = vpow2.f32 v30;
	v30 =	vsub.f32 v53, v27;
	v44 =	vpop (erf)  }
0xc5: {  	v28 =	vmul.f32 $1.442695020e+00, v28;
	v31 =	vmax.f32 v31, v50;
	v46 =	vadd.f32 v63, v44  }
0xc6: {  	v14 =	vmul.f32 v19, v14;
	v31 =	vmax.f32 v31, v32;
	v41 =	vpop (erf)  }
0xc7: {  	(erf) = vpow2.f32 v28;
	v28 =	vmul.f32 $1.442695020e+00, v30;
	v47 =	vadd.f32 v46, v41  }
0xc8: {  	vm14 =	vgt.f32 v14, v33;
	v30 =	vsel vm0, $0x1, v1;
	v31 =	vmax.f32 v31, v52;
	v40 =	vpop (erf)  }
0xc9: {  	(erf) = vpow2.f32 v28;
	v28 =	vsub.f32 v55, v27;
	v49 =	vadd.f32 v47, v40  }
0xca: {  	v33 =	vsel vm14, v14, v33;
	v57 =	vsel vm8, v30, v57;
	v53 =	vmax.f32 v31, v54;
	v43 =	vpop (erf)  }
0xcb: {  	v31 =	vsub.f32 v58, v53;
	v28 =	vmul.f32 $1.442695020e+00, v28;
	v58 =	vadd.f32 v49, v43  }
0xcc: {  	v29 =	vsub.f32 v29, v27;
	vm0 =	vgt.f32 v14, v9;
	v47 =	vsel vm10, $0x3, v57;
	v46 =	vpop (erf)  }
0xcd: {  	(erf) = vpow2.f32 v28;
	v28 =	vmul.f32 $1.442695020e+00, v31;
	v49 =	vadd.f32 v58, v46  }
0xce: {  	v30 =	vsel vm8, $0x2, v30;
	v27 =	vsub.f32 v56, v27;
	v39 =	vsub.f32 v39, v53  }
0xcf: {  	v31 =	vsel vm9, v30, v47;
	(erf) = vpow2.f32 v28;
	v28 =	vmul.f32 $1.442695020e+00, v29;
	v47 =	vpop (erf)  }
0xd0: {  	v39 =	vmul.f32 $1.442695020e+00, v39;
	v29 =	vsel vm11, $0x4, v31;
	v31 =	vadd.f32 v49, v47  }
0xd1: {  	v42 =	vsub.f32 v42, v53;
	v27 =	vmul.f32 $1.442695020e+00, v27;
	(erf) = vpow2.f32 v28;
	v49 =	vpop (erf)  }
0xd2: {  	v28 =	vsub.f32 v59, v53;
	(erf) = vpow2.f32 v39;
	v31 =	vadd.f32 v31, v49  }
0xd3: {  	v45 =	vsub.f32 v45, v53;
	(erf) = vpow2.f32 v27;
	v27 =	vsub.f32 v60, v53;
	v55 =	vpop (erf)  }
0xd4: {  	v63 =	vmul.f32 $1.442695020e+00, v42;
	v28 =	vmul.f32 $1.442695020e+00, v28;
	v31 =	vadd.f32 v31, v55  }
0xd5: {  	v38 =	vsub.f32 v38, v53;
	v42 =	vmul.f32 $1.442695020e+00, v45;
	v27 =	vmul.f32 $1.442695020e+00, v27;
	v56 =	vpop (erf)  }
0xd6: {  	(erf) = vpow2.f32 v28;
	v28 =	vsub.f32 v61, v53;
	v31 =	vadd.f32 v31, v56  }
0xd7: {  	v30 =	vsel vm9, $0x3, v30;
	v57 =	vpop (erf);
	(erf) = vpow2.f32 v63;
	v63 =	vsub.f32 v62, v53  }
0xd8: {  	v60 =	vsub.f32 v48, v53;
	v28 =	vmul.f32 $1.442695020e+00, v28;
	v31 =	vadd.f32 v31, v57  }
0xd9: {  	v59 =	vsub.f32 v51, v53;
	(erf) = vpow2.f32 v27;
	v48 =	vpop (erf);
	v58 =	vmul.f32 $1.442695020e+00, v63  }
0xda: {  	v61 =	vmul.f32 $1.442695020e+00, v60;
	(erf) = vpow2.f32 v42;
	v27 =	vpop (erf);
	v31 =	vadd.f32 v31, v48  }
0xdb: {  	v38 =	vmul.f32 $1.442695020e+00, v38;
	v60 =	vsel vm1, v30, v29;
	(erf) = vpow2.f32 v28;
	v51 =	vpop (erf)  }
0xdc: {  	v29 =	vmul.f32 $1.442695020e+00, v59;
	(erf) = vpow2.f32 v61;
	v28 =	vpop (erf);
	v31 =	vadd.f32 v31, v51  }
0xdd: {  	v39 =	vsel vm0, v14, v9;
	v62 =	vsel vm1, $0x4, v30;
	(erf) = vpow2.f32 v58;
	v58 =	vpop (erf)  }
0xde: {  	v42 =	vmul.f32 v19, v6;
	(erf) = vpow2.f32 v38;
	v31 =	vadd.f32 v31, v58  }
0xdf: {  	v6 =	vsub.f32 v16, v53;
	v16 =	vsel vm2, $0x5, v60;
	(erf) = vpow2.f32 v29  }
0xe0: {  	v63 =	vsel vm5, v62, v16;
	v30 =	vadd.f32 v28, v27;
	v29 =	vpop (erf);
	(erf) = vrcp.f32 v31  }
0xe1: {  	v16 =	vsub.f32 v32, v53;
	v61 =	vsel vm0, v9, v33;
	v9 =	vsub.f32 v50, v53;
	v33 =	vpop (erf)  }
0xe2: {  	v6 =	vmul.f32 $1.442695020e+00, v6;
	v14 =	vadd.f32 v30, v29;
	v31 =	vpop (erf)  }
0xe3: {  	v52 =	vsub.f32 v52, v53;
	v53 =	vsub.f32 v54, v53;
	v9 =	vmul.f32 $1.442695020e+00, v9;
	v32 =	vpop (erf)  }
0xe4: {  	v23 =	vmul.f32 v19, v23;
	(erf) = vpow2.f32 v6;
	v6 =	vadd.f32 v14, v33;
	v30 =	vpop (erf)  }
0xe5: {  	v4 =	vshll.u32 v4, $0x1;
	v60 =	vmul.f32 $1.442695020e+00, v16;
	v53 =	vmul.f32 $1.442695020e+00, v53;
	v16 =	vpop (erf)  }
0xe6: {  	v52 =	vmul.f32 $1.442695020e+00, v52;
	v45 =	vsel vm5, $0x5, v62;
	(erf) = vpow2.f32 v9;
	v14 =	vpop (erf)  }
0xe7: {  	v50 =	vsel vm15, $0x6, v63;
	vm1 =	vgt.f32 v42, v61;
	(erf) = vpow2.f32 v60;
	v9 =	vpop (erf)  }
0xe8: {  	v38 =	vsel vm1, v42, v61;
	v61 =	vadd.f32 v6, v31;
	(erf) = vpow2.f32 v52;
	v6 =	vpop (erf)  }
0xe9: {  	v34 =	vor.u32 $0x1, v21;
	v50 =	vsel vm12, v45, v50;
	(erf) = vpow2.f32 v53;
	v53 =	vpop (erf)  }
0xea: {  	vm2 =	vgt.f32 v42, v39;
	v50 =	vsel vm13, $0x7, v50;
	v54 =	vmul.f32 v53, v35  }
0xeb: {  	v62 =	vadd.f32 v61, v32;
	v59 =	vmul.f32 v53, v36;
	v35 =	vmul.f32 v19, v5  }
0xec: {  	v38 =	vsel vm2, v39, v38;
	v61 =	vmul.f32 v53, v37;
	v48 =	vmul.f32 v53, v48  }
0xed: {  	v52 =	vadd.f32 v62, v30;
	v55 =	vmul.f32 v53, v55;
	v49 =	vmul.f32 v53, v49  }
0xee: {  	v36 =	vsel vm2, v42, v39;
	v41 =	vmul.f32 v53, v41;
	v46 =	vmul.f32 v53, v46  }
0xef: {  	s12 =	simm.s32 $0x8800;
	v39 =	vsel vm12, $0x6, v45;
	v47 =	vmul.f32 v53, v47;
	v43 =	vmul.f32 v53, v43  }
0xf0: {  	[tilespmem:s12+$0x0] =	vst v2;
	v40 =	vmul.f32 v53, v40;
	vm6 =	vgt.f32 v59, v54;
	vm7 =	vgt.f32 v59, $-1.000000000e+00  }
0xf1: {  	[tilespmem:s12+$0x80] =	vst v2;
	v63 =	vsel vm3, v39, v50;
	vm9 =	vmneg vm6;
	v5 =	vnsel vm7, $0xBF800000, v59  }
0xf2: {  	[tilespmem:s12+$0x100] =	vst v2;
	v37 =	vsel vm3, $0x7, v39;
	v39 =	vmul.f32 v53, v58;
	v60 =	vsel vm9, v5, v54  }
0xf3: {  	[tilespmem:s12+$0x180] =	vst v2;
	v42 =	vsel vm14, $0x8, v63;
	v54 =	vsel vm9, v54, v59;
	vm11 =	vgt.f32 v61, v60  }
0xf4: {  	[tilespmem:s12+$0x200] =	vst v2;
	v63 =	vmul.f32 v53, v44;
	vm8 =	vgt.f32 v61, v54;
	v62 =	vsel vm11, v61, v60  }
0xf5: {  	[tilespmem:s12+$0x280] =	vst v2;
	vm5 =	vgt.f32 v35, v38;
	v59 =	vadd.f32 v52, v16;
	v52 =	vsel vm8, v54, v62  }
0xf6: {  	[tilespmem:s12+$0x300] =	vst v2;
	vm4 =	vgt.f32 v35, v36;
	v50 =	vsel vm8, v61, v54;
	vm12 =	vgt.f32 v63, v52  }
0xf7: {  	[tilespmem:s12+$0x380] =	vst v2;
	v44 =	vmul.f32 v53, v51;
	vm10 =	vgt.f32 v63, v50;
	v52 =	vsel vm12, v63, v52  }
0xf8: {  	[tilespmem:s12+$0x400] =	vst v2;
	v51 =	vmul.f32 v53, v57;
	v38 =	vsel vm5, v35, v38;
	v52 =	vsel vm10, v50, v52  }
0xf9: {  	[tilespmem:s12+$0x480] =	vst v2;
	v38 =	vsel vm4, v36, v38;
	v50 =	vsel vm10, v63, v50;
	vm13 =	vgt.f32 v41, v52  }
0xfa: {  	[tilespmem:s12+$0x500] =	vst v2;
	vm7 =	vmand vm9, vm7;
	vm14 =	vgt.f32 v41, v50;
	v52 =	vsel vm13, v41, v52  }
0xfb: {  	[tilespmem:s12+$0x580] =	vst v2;
	v45 =	vadd.f32 v59, v14;
	v60 =	vsel vm6, $0x1, v1;
	v52 =	vsel vm14, v50, v52  }
0xfc: {  	[tilespmem:s12+$0x600] =	vst v2;
	v61 =	vsel vm7, $0x1, v1;
	v41 =	vsel vm14, v41, v50;
	vm15 =	vgt.f32 v40, v52  }
0xfd: {  	[tilespmem:s12+$0x680] =	vst v2;
	v54 =	vmul.f32 v53, v56;
	vm6 =	vgt.f32 v40, v41;
	v52 =	vsel vm15, v40, v52  }
0xfe: {  	[tilespmem:s12+$0x700] =	vst v2;
	v62 =	vsel vm11, $0x2, v61;
	v53 =	vsel vm8, $0x2, v60;
	v52 =	vsel vm6, v41, v52  }
0xff: {  	[tilespmem:s12+$0x780] =	vst v2;
	v50 =	vsel vm8, v60, v62;
	v40 =	vsel vm6, v40, v41;
	vm11 =	vgt.f32 v43, v52  }
0x100: {  	[tilespmem:v24+s8+$0x0] =	vst.idx.msk $0xffff, v26;
	v24 =	vsel vm12, $0x3, v50;
	vm7 =	vgt.f32 v43, v40;
	v26 =	vsel vm11, v43, v52  }
0x101: {  	[tilespmem:v22+s8+$0x0] =	vst.idx.msk $0xffff, v25;
	v63 =	vsel vm10, $0x3, v53;
	v22 =	vsel vm10, v53, v24;
	v25 =	vsel vm7, v40, v26  }
0x102: {  	[tilespmem:v21+s9+$0x0] =	vst.idx.msk $0xffff, v13;
	v24 =	vsel vm14, $0x4, v63;
	v21 =	vsel vm7, v43, v40;
	vm10 =	vgt.f32 v46, v25  }
0x103: {  	[tilespmem:v34+s9+$0x0] =	vst.idx.msk $0xffff, v12;
	v12 =	vsel vm13, $0x4, v22;
	vm8 =	vgt.f32 v46, v21;
	v22 =	vsel vm10, v46, v25  }
0x104: {  	v13 =	vsel vm6, $0x5, v24;
	v12 =	vsel vm14, v63, v12;
	v22 =	vsel vm8, v21, v22  }
0x105: {  	[tilespmem:s12+$0xFFFFF800] =	vst v2;
	v12 =	vsel vm15, $0x5, v12;
	v21 =	vsel vm8, v46, v21;
	vm9 =	vgt.f32 v47, v22  }
0x106: {  	[tilespmem:s12+$0xFFFFF880] =	vst v2;
	v12 =	vsel vm6, v24, v12;
	vm12 =	vgt.f32 v47, v21;
	v22 =	vsel vm9, v47, v22  }
0x107: {  	[tilespmem:s12+$0xFFFFF900] =	vst v2;
	v12 =	vsel vm11, $0x6, v12;
	v25 =	vsel vm7, $0x6, v13;
	v22 =	vsel vm12, v21, v22  }
0x108: {  	[tilespmem:s12+$0xFFFFF980] =	vst v2;
	v12 =	vsel vm7, v13, v12;
	v21 =	vsel vm12, v47, v21;
	vm6 =	vgt.f32 v49, v22  }
0x109: {  	[tilespmem:s12+$0xFFFFFA00] =	vst v2;
	v12 =	vsel vm10, $0x7, v12;
	vm7 =	vgt.f32 v49, v21;
	v13 =	vsel vm6, v49, v22  }
0x10a: {  	[tilespmem:s12+$0xFFFFFA80] =	vst v2;
	v26 =	vsel vm8, $0x7, v25;
	v12 =	vsel vm8, v25, v12;
	v13 =	vsel vm7, v21, v13  }
0x10b: {  	[tilespmem:s12+$0xFFFFFB00] =	vst v2;
	v24 =	vsel vm12, $0x8, v26;
	v21 =	vsel vm7, v49, v21;
	vm13 =	vgt.f32 v55, v13  }
0x10c: {  	[tilespmem:s12+$0xFFFFFB80] =	vst v2;
	v12 =	vsel vm9, $0x8, v12;
	vm10 =	vgt.f32 v55, v21;
	v13 =	vsel vm13, v55, v13  }
0x10d: {  	[tilespmem:s12+$0xFFFFFC00] =	vst v2;
	v12 =	vsel vm12, v26, v12;
	v22 =	vsel vm7, $0x9, v24;
	v13 =	vsel vm10, v21, v13  }
0x10e: {  	[tilespmem:s12+$0xFFFFFC80] =	vst v2;
	v12 =	vsel vm6, $0x9, v12;
	v21 =	vsel vm10, v55, v21;
	vm15 =	vgt.f32 v54, v13  }
0x10f: {  	[tilespmem:s12+$0xFFFFFD00] =	vst v2;
	v12 =	vsel vm7, v24, v12;
	vm14 =	vgt.f32 v54, v21;
	v13 =	vsel vm15, v54, v13  }
0x110: {  	[tilespmem:s12+$0xFFFFFD80] =	vst v2;
	v25 =	vsel vm10, $0xA, v22;
	v12 =	vsel vm13, $0xA, v12;
	v13 =	vsel vm14, v21, v13  }
0x111: {  	[tilespmem:s12+$0xFFFFFE00] =	vst v2;
	v12 =	vsel vm10, v22, v12;
	v21 =	vsel vm14, v54, v21;
	vm13 =	vgt.f32 v51, v13  }
0x112: {  	s11 =	simm.s32 $0x9800;
	[tilespmem:s12+$0xFFFFFE80] =	vst v2;
	v12 =	vsel vm15, $0xB, v12;
	vm12 =	vgt.f32 v51, v21;
	v13 =	vsel vm13, v51, v13  }
0x113: {  	[tilespmem:s11+$0x0] =	vst v2;
	v26 =	vsel vm14, $0xB, v25;
	v12 =	vsel vm14, v25, v12;
	v13 =	vsel vm12, v21, v13  }
0x114: {  	[tilespmem:s11+$0x80] =	vst v2;
	v22 =	vsel vm12, $0xC, v26;
	v21 =	vsel vm12, v51, v21;
	vm15 =	vgt.f32 v48, v13  }
0x115: {  	[tilespmem:s11+$0x100] =	vst v2;
	v12 =	vsel vm13, $0xC, v12;
	vm14 =	vgt.f32 v48, v21;
	v13 =	vsel vm15, v48, v13  }
0x116: {  	[tilespmem:s11+$0x180] =	vst v2;
	v12 =	vsel vm12, v26, v12;
	v24 =	vsel vm14, $0xD, v22;
	v13 =	vsel vm14, v21, v13  }
0x117: {  	[tilespmem:s11+$0x200] =	vst v2;
	v12 =	vsel vm15, $0xD, v12;
	v21 =	vsel vm14, v48, v21;
	vm13 =	vgt.f32 v44, v13  }
0x118: {  	[tilespmem:s11+$0x280] =	vst v2;
	v12 =	vsel vm14, v22, v12;
	vm12 =	vgt.f32 v44, v21;
	v13 =	vsel vm13, v44, v13  }
0x119: {  	[tilespmem:s11+$0x300] =	vst v2;
	v12 =	vsel vm13, $0xE, v12;
	v25 =	vsel vm12, v21, v13;
	v21 =	vsel vm12, v44, v21  }
0x11a: {  	[tilespmem:s11+$0x380] =	vst v2;
	v12 =	vsel vm12, v24, v12;
	v13 =	vadd.f32 v45, v9;
	vm15 =	vgt.f32 v39, v25  }
0x11b: {  	[tilespmem:s11+$0x400] =	vst v2;
	v22 =	vsel vm12, $0xE, v24;
	vm14 =	vgt.f32 v39, v21;
	v12 =	vsel vm15, $0xF, v12  }
0x11c: {  	[tilespmem:s11+$0x480] =	vst v2;
	v24 =	vsel vm14, $0xF, v22;
	v13 =	vadd.f32 v13, v6;
	v22 =	vsel vm14, v22, v12  }
0x11d: {  	[tilespmem:s11+$0x500] =	vst v2;
	v26 =	vor.u32 v11, v24;
	v12 =	vsel vm0, v37, v42;
	v58 =	vor.u32 v11, v22;
	v11 =	vpop (erf)  }
0x11e: {  	[tilespmem:s11+$0x580] =	vst v2;
	v59 =	vshll.u32 v10, $0x1;
	v10 =	vsel vm1, $0x9, v12;
	v12 =	vadd.f32 v13, v11  }
0x11f: {  	v18 =	vmul.f32 v19, v18;
	v17 =	vmul.f32 v19, v17;
	[tilespmem:s11+$0x600] =	vst v2;
	vm3 =	vgt.f32 v23, v38  }
0x120: {  	[tilespmem:s11+$0x680] =	vst v2;
	v34 =	vshll.u32 v20, $0x1;
	v35 =	vsel vm4, v35, v36;
	v38 =	vsel vm3, v23, v38;
	v13 =	vpop (erf)  }
0x121: {  	[tilespmem:s11+$0x700] =	vst v2;
	v60 =	vor.u32 $0x1, v59;
	v25 =	vsel vm15, v39, v25;
	v61 =	vadd.f32 v12, v13  }
0x122: {  	[tilespmem:s11+$0x780] =	vst v2;
	v62 =	vmul.f32 v19, v8;
	v39 =	vsel vm14, v39, v21;
	v21 =	vsel vm14, v21, v25;
	v12 =	vpop (erf)  }
0x123: {  	v37 =	vsel vm0, $0x8, v37;
	vm1 =	vgt.f32 v23, v35;
	[tilespmem:v26+s8+$0x0] =	vst.idx.msk $0xffff, v39;
	v8 =	vadd.f32 v61, v12  }
0x124: {  	v25 =	vsel vm2, $0x9, v37;
	v38 =	vsel vm1, v35, v38;
	[tilespmem:v58+s8+$0x0] =	vst.idx.msk $0xffff, v21;
	v21 =	vsel vm2, v37, v10  }
0x125: {  	[tilespmem:s12+$0xFFFFFF00] =	vst v2;
	v23 =	vsel vm1, v23, v35;
	vm0 =	vgt.f32 v62, v38;
	v10 =	vpop (erf);
	v21 =	vsel vm5, $0xA, v21  }
0x126: {  	v26 =	vsel vm4, $0xA, v25;
	[tilespmem:v59+s9+$0x0] =	vst.idx.msk $0xffff, v24;
	v21 =	vsel vm4, v25, v21;
	v24 =	vadd.f32 v8, v10  }
0x127: {  	[tilespmem:s12+$0xFFFFFF80] =	vst v2;
	vm2 =	vgt.f32 v62, v23;
	v25 =	vsel vm0, v62, v38;
	v21 =	vsel vm3, $0xB, v21;
	v8 =	vpop (erf)  }
0x128: {  	v20 =	vor.u32 $0x1, v34;
	[tilespmem:v60+s9+$0x0] =	vst.idx.msk $0xffff, v22;
	v21 =	vsel vm1, v26, v21;
	v22 =	vadd.f32 v24, v8  }
0x129: {  	[tilespmem:s11+$0xFFFFF800] =	vst v2;
	v63 =	vsel vm1, $0xB, v26;
	v21 =	vsel vm0, $0xC, v21;
	v24 =	vsel vm2, v23, v25  }
0x12a: {  	[tilespmem:s11+$0xFFFFF880] =	vst v2;
	v23 =	vsel vm2, v62, v23;
	vm0 =	vgt.f32 v18, v24;
	(erf) = vrcp.f32 v22  }
0x12b: {  	[tilespmem:s11+$0xFFFFF900] =	vst v2;
	v21 =	vsel vm2, v63, v21;
	vm1 =	vgt.f32 v18, v23;
	v22 =	vsel vm0, v18, v24  }
0x12c: {  	[tilespmem:s11+$0xFFFFF980] =	vst v2;
	v24 =	vsel vm2, $0xC, v63;
	v21 =	vsel vm0, $0xD, v21;
	v18 =	vsel vm1, v18, v23  }
0x12d: {  	[tilespmem:s11+$0xFFFFFA00] =	vst v2;
	v22 =	vsel vm1, v23, v22;
	v21 =	vsel vm1, v24, v21;
	vm0 =	vgt.f32 v17, v18  }
0x12e: {  	[tilespmem:s11+$0xFFFFFA80] =	vst v2;
	v23 =	vmul.f32 v19, v15;
	v15 =	vsel vm1, $0xD, v24;
	vm2 =	vgt.f32 v17, v22  }
0x12f: {  	[tilespmem:s11+$0xFFFFFB00] =	vst v2;
	v21 =	vsel vm2, $0xE, v21;
	v22 =	vsel vm2, v17, v22;
	v17 =	vsel vm0, v17, v18  }
0x130: {  	[tilespmem:s11+$0xFFFFFB80] =	vst v2;
	v19 =	vsel vm0, v18, v22;
	v18 =	vsel vm0, v15, v21;
	v15 =	vsel vm0, $0xE, v15  }
0x131: {  	[tilespmem:s11+$0xFFFFFC00] =	vst v2;
	v5 =	vor.u32 $0x1, v4;
	vm1 =	vgt.f32 v23, v17;
	vm2 =	vgt.f32 v23, v19  }
0x132: {  	[tilespmem:s11+$0xFFFFFC80] =	vst v2;
	v36 =	vsel vm1, $0xF, v15;
	v18 =	vsel vm2, $0xF, v18;
	v19 =	vsel vm2, v23, v19  }
0x133: {  	[tilespmem:s11+$0xFFFFFD00] =	vst v2;
	v35 =	vsel vm1, v15, v18;
	v19 =	vsel vm1, v17, v19;
	v18 =	vor.u32 v7, v36;
	v15 =	vpop (erf)  }
0x134: {  	[tilespmem:s11+$0xFFFFFD80] =	vst v2;
	v37 =	vor.u32 v7, v35;
	v7 =	vmul.f32 v15, v27;
	v21 =	vmul.f32 v15, v28  }
0x135: {  	[tilespmem:s11+$0xFFFFFE00] =	vst v2;
	v27 =	vsel vm1, v23, v17;
	v38 =	vmul.f32 v15, v29;
	v29 =	vmul.f32 v15, v33  }
0x136: {  	[tilespmem:s11+$0xFFFFFE80] =	vst v2;
	v25 =	vmul.f32 v15, v31;
	vm0 =	vgt.f32 v21, v7;
	vm1 =	vgt.f32 v21, $-1.000000000e+00  }
0x137: {  	[tilespmem:s11+$0xFFFFFF00] =	vst v2;
	v22 =	vmul.f32 v15, v32;
	vm2 =	vmneg vm0;
	v17 =	vnsel vm1, $0xBF800000, v21  }
0x138: {  	s13 =	simm.s32 $0x40;
	s12 =	simm.s32 $0x2;
	[tilespmem:s11+$0xFFFFFF80] =	vst v2;
	v23 =	vsel vm2, v17, v7;
	v26 =	vsel vm2, v7, v21;
	v21 =	vmul.f32 v15, v30  }
.LBB2_2:
0x139: {  	v17 =	vor.u32 s13, v0;
	s14 =	sadd.s32 $0x10, s13;
	vm6 =	vgt.f32 v38, v26;
	vm4 =	vgt.f32 v38, v23;
	[tilespmem:v18+s8+$0x0] =	vst.idx.msk $0xffff, v27  }
0x13a: {  	v7 =	vshll.u32 v17, $0x7;
	v18 =	vor.u32 s14, v0;
	v27 =	vsel vm4, v38, v23;
	[tilespmem:v37+s8+$0x0] =	vst.idx.msk $0xffff, v19  }
0x13b: {  	v30 =	vor.u32 $0x1, v7;
	v32 =	vor.u32 $0x2, v7;
	v19 =	vshll.u32 v18, $0x7;
	[tilespmem:v4+s9+$0x0] =	vst.idx.msk $0xffff, v36;
	v4 =	vmovc v34  }
0x13c: {  	s12 =	sadd.s32 $0x2, s12;
	v33 =	vor.u32 $0x3, v7;
	v34 =	vor.u32 $0x4, v7;
	v28 =	vor.u32 $0x1, v19;
	[tilespmem:v5+s9+$0x0] =	vst.idx.msk $0xffff, v35;
	v5 =	vmovc v20  }
0x13d: {  	p0 =	slt.u32 s12, $0xE;
	v36 =	vor.u32 $0x5, v7;
	v45 =	vor.u32 $0x6, v7;
	v31 =	vor.u32 $0x2, v19  }
0x13e: {  	v49 =	vor.u32 $0x7, v7;
	v50 =	vor.u32 $0x8, v7;
	v37 =	vor.u32 $0x3, v19  }
0x13f: {  	v51 =	vor.u32 $0x9, v7;
	v52 =	vor.u32 $0xA, v7;
	v39 =	vor.u32 $0x4, v19;
	v20 =	vld.idx.msk [tilespmem:v7+s2+$0x0], $0xffff  }
0x140: {  	v48 =	vor.u32 $0xB, v7;
	v35 =	vor.u32 $0xC, v7;
	v40 =	vor.u32 $0x5, v19;
	v53 =	vld.idx.msk [tilespmem:v19+s2+$0x0], $0xffff  }
0x141: {  	v23 =	vor.u32 $0xD, v7;
	v24 =	vor.u32 $0xE, v7;
	v41 =	vor.u32 $0x6, v19;
	v54 =	vld.idx.msk [tilespmem:v28+s2+$0x0], $0xffff  }
0x142: {  	v27 =	vsel vm6, v26, v27;
	v28 =	vor.u32 $0xF, v7;
	v55 =	vld.idx.msk [tilespmem:v31+s2+$0x0], $0xffff;
	v31 =	vor.u32 $0x7, v19  }
0x143: {  	v26 =	vsel vm6, v38, v26;
	vm13 =	vgt.f32 v29, v27;
	v56 =	vld.idx.msk [tilespmem:v37+s2+$0x0], $0xffff;
	v37 =	vor.u32 $0x8, v19  }
0x144: {  	v38 =	vor.u32 $0x9, v19;
	vm11 =	vgt.f32 v29, v26;
	v27 =	vsel vm13, v29, v27;
	v57 =	vld.idx.msk [tilespmem:v39+s2+$0x0], $0xffff  }
0x145: {  	v27 =	vsel vm11, v26, v27;
	v26 =	vsel vm11, v29, v26;
	v39 =	vor.u32 $0xA, v19;
	v47 =	vld.idx.msk [tilespmem:v40+s2+$0x0], $0xffff  }
0x146: {  	vm9 =	vgt.f32 v25, v26;
	vm12 =	vgt.f32 v25, v27;
	v40 =	vor.u32 $0xB, v19;
	v46 =	vld.idx.msk [tilespmem:v41+s2+$0x0], $0xffff  }
0x147: {  	v27 =	vsel vm12, v25, v27;
	v41 =	vor.u32 $0xC, v19;
	v42 =	vmax.f32 v53, v54;
	v29 =	vld.idx.msk [tilespmem:v31+s2+$0x0], $0xffff  }
0x148: {  	v43 =	vor.u32 $0xD, v19;
	v31 =	vld.idx.msk [tilespmem:v37+s2+$0x0], $0xffff;
	v37 =	vmax.f32 v42, v55;
	v42 =	vsel vm9, v26, v27  }
0x149: {  	v44 =	vor.u32 $0xE, v19;
	v27 =	vld.idx.msk [tilespmem:v38+s2+$0x0], $0xffff;
	v37 =	vmax.f32 v37, v56;
	vm10 =	vgt.f32 v22, v42  }
0x14a: {  	v58 =	vor.u32 $0xF, v19;
	v25 =	vsel vm9, v25, v26;
	v39 =	vld.idx.msk [tilespmem:v39+s2+$0x0], $0xffff;
	v37 =	vmax.f32 v37, v57  }
0x14b: {  	vm7 =	vgt.f32 v22, v25;
	v38 =	vld.idx.msk [tilespmem:v40+s2+$0x0], $0xffff;
	v26 =	vmax.f32 v37, v47;
	v40 =	vsel vm10, v22, v42  }
0x14c: {  	v22 =	vsel vm7, v22, v25;
	v37 =	vld.idx.msk [tilespmem:v41+s2+$0x0], $0xffff;
	v26 =	vmax.f32 v26, v46;
	v40 =	vsel vm7, v25, v40  }
0x14d: {  	vm1 =	vmand vm2, vm1;
	v41 =	vld.idx.msk [tilespmem:v43+s2+$0x0], $0xffff;
	v25 =	vmax.f32 v26, v29;
	vm8 =	vgt.f32 v21, v40  }
0x14e: {  	vm3 =	vgt.f32 v21, v22;
	v43 =	vld.idx.msk [tilespmem:v44+s2+$0x0], $0xffff;
	v25 =	vmax.f32 v25, v31;
	v26 =	vsel vm8, v21, v40  }
0x14f: {  	v16 =	vmul.f32 v15, v16;
	v42 =	vsel vm1, $0x1, v1;
	v40 =	vld.idx.msk [tilespmem:v58+s2+$0x0], $0xffff;
	v25 =	vmax.f32 v25, v27  }
0x150: {  	v58 =	vsel vm4, $0x2, v42;
	v26 =	vsel vm3, v22, v26;
	v44 =	vld.idx.msk [tilespmem:v30+s2+$0x0], $0xffff;
	v25 =	vmax.f32 v25, v39  }
0x151: {  	v59 =	vsel vm0, $0x1, v1;
	vm5 =	vgt.f32 v16, v26;
	v42 =	vld.idx.msk [tilespmem:v32+s2+$0x0], $0xffff;
	v25 =	vmax.f32 v25, v38  }
0x152: {  	v22 =	vsel vm3, v21, v22;
	v58 =	vsel vm6, v59, v58;
	v30 =	vld.idx.msk [tilespmem:v33+s2+$0x0], $0xffff;
	v25 =	vmax.f32 v25, v37  }
0x153: {  	vm4 =	vgt.f32 v16, v22;
	v32 =	vld.idx.msk [tilespmem:v34+s2+$0x0], $0xffff;
	v21 =	vmax.f32 v25, v41;
	v25 =	vsel vm5, v16, v26  }
0x154: {  	v59 =	vsel vm6, $0x2, v59;
	v26 =	vsel vm13, $0x3, v58;
	v33 =	vld.idx.msk [tilespmem:v36+s2+$0x0], $0xffff;
	v21 =	vmax.f32 v21, v43  }
0x155: {  	v60 =	vmul.f32 v15, v14;
	v58 =	vsel vm4, v22, v25;
	v34 =	vld.idx.msk [tilespmem:v45+s2+$0x0], $0xffff;
	v45 =	vmax.f32 v21, v40  }
0x156: {  	v14 =	vmax.f32 v20, v44;
	v36 =	vld.idx.msk [tilespmem:v49+s2+$0x0], $0xffff;
	v25 =	vsub.f32 v53, v45;
	v49 =	vsel vm11, v59, v26  }
0x157: {  	vm6 =	vgt.f32 v60, v58;
	v14 =	vmax.f32 v14, v42;
	v21 =	vld.idx.msk [tilespmem:v50+s2+$0x0], $0xffff;
	v50 =	vsub.f32 v54, v45  }
0x158: {  	v53 =	vsel vm4, v16, v22;
	v14 =	vmax.f32 v14, v30;
	v26 =	vld.idx.msk [tilespmem:v51+s2+$0x0], $0xffff;
	v51 =	vmul.f32 $1.442695020e+00, v25  }
0x159: {  	v14 =	vmax.f32 v14, v32;
	v22 =	vld.idx.msk [tilespmem:v52+s2+$0x0], $0xffff;
	v50 =	vmul.f32 $1.442695020e+00, v50;
	v52 =	vsub.f32 v55, v45  }
0x15a: {  	v14 =	vmax.f32 v14, v33;
	v25 =	vld.idx.msk [tilespmem:v48+s2+$0x0], $0xffff;
	(erf) = vpow2.f32 v51;
	v48 =	vsel vm12, $0x4, v49  }
0x15b: {  	v49 =	vsub.f32 v56, v45;
	v16 =	vld.idx.msk [tilespmem:v35+s2+$0x0], $0xffff;
	v35 =	vmul.f32 $1.442695020e+00, v52;
	(erf) = vpow2.f32 v50  }
0x15c: {  	v51 =	vsel vm11, $0x3, v59;
	v50 =	vmax.f32 v14, v34;
	v52 =	vsel vm6, v60, v58;
	v23 =	vld.idx.msk [tilespmem:v23+s2+$0x0], $0xffff  }
0x15d: {  	v54 =	vsub.f32 v57, v45;
	v49 =	vmul.f32 $1.442695020e+00, v49;
	v24 =	vld.idx.msk [tilespmem:v24+s2+$0x0], $0xffff;
	(erf) = vpow2.f32 v35  }
0x15e: {  	vm0 =	vgt.f32 v60, v53;
	v35 =	vsel vm9, v51, v48;
	v14 =	vld.idx.msk [tilespmem:v28+s2+$0x0], $0xffff;
	v28 =	vmax.f32 v50, v36  }
0x15f: {  	v47 =	vsub.f32 v47, v45;
	v48 =	vmul.f32 $1.442695020e+00, v54;
	(erf) = vpow2.f32 v49  }
0x160: {  	v50 =	vsel vm0, v53, v52;
	v49 =	vmax.f32 v28, v21;
	v28 =	vmul.f32 v15, v9  }
0x161: {  	v46 =	vsub.f32 v46, v45;
	v9 =	vmul.f32 $1.442695020e+00, v47;
	(erf) = vpow2.f32 v48  }
0x162: {  	v47 =	vmax.f32 v49, v26;
	v49 =	vsel vm10, $0x5, v35;
	v48 =	vsel vm9, $0x4, v51  }
0x163: {  	v35 =	vmul.f32 $1.442695020e+00, v46;
	v46 =	vsub.f32 v29, v45;
	v29 =	vpop (erf);
	(erf) = vpow2.f32 v9  }
0x164: {  	vm1 =	vgt.f32 v28, v50;
	v9 =	vmax.f32 v47, v22;
	v47 =	vsub.f32 v31, v45;
	v31 =	vpop (erf)  }
0x165: {  	v46 =	vmul.f32 $1.442695020e+00, v46;
	v51 =	vadd.f32 v31, v29;
	(erf) = vpow2.f32 v35  }
0x166: {  	v52 =	vsub.f32 v27, v45;
	v9 =	vmax.f32 v9, v25;
	v35 =	vsel vm0, v60, v53;
	v27 =	vpop (erf)  }
0x167: {  	v47 =	vmul.f32 $1.442695020e+00, v47;
	v51 =	vadd.f32 v51, v27;
	(erf) = vpow2.f32 v46  }
0x168: {  	v49 =	vsel vm7, v48, v49;
	v9 =	vmax.f32 v9, v16;
	v46 =	vsub.f32 v39, v45;
	v39 =	vpop (erf)  }
0x169: {  	v52 =	vmul.f32 $1.442695020e+00, v52;
	v51 =	vadd.f32 v51, v39;
	(erf) = vpow2.f32 v47  }
0x16a: {  	v53 =	vsub.f32 v38, v45;
	v47 =	vmax.f32 v9, v23;
	v9 =	vsel vm1, v28, v50;
	v38 =	vpop (erf)  }
0x16b: {  	v46 =	vmul.f32 $1.442695020e+00, v46;
	v50 =	vadd.f32 v51, v38;
	(erf) = vpow2.f32 v52  }
0x16c: {  	vm2 =	vgt.f32 v28, v35;
	v47 =	vmax.f32 v47, v24;
	v51 =	vsub.f32 v37, v45;
	v37 =	vpop (erf)  }
0x16d: {  	v52 =	vmul.f32 $1.442695020e+00, v53;
	v50 =	vadd.f32 v50, v37;
	(erf) = vpow2.f32 v46  }
0x16e: {  	v47 =	vmax.f32 v47, v14;
	v53 =	vsel vm8, $0x6, v49;
	v46 =	vsub.f32 v41, v45;
	v41 =	vpop (erf)  }
0x16f: {  	v49 =	vmul.f32 $1.442695020e+00, v51;
	v50 =	vadd.f32 v50, v41;
	(erf) = vpow2.f32 v52  }
0x170: {  	v20 =	vsub.f32 v20, v47;
	v51 =	vsub.f32 v43, v45;
	v52 =	vsel vm7, $0x5, v48;
	v43 =	vpop (erf)  }
0x171: {  	v54 =	vmul.f32 $1.442695020e+00, v46;
	v48 =	vadd.f32 v50, v43;
	(erf) = vpow2.f32 v49  }
0x172: {  	v40 =	vsub.f32 v40, v45;
	v20 =	vmul.f32 $1.442695020e+00, v20;
	v49 =	vsub.f32 v44, v47;
	v44 =	vpop (erf)  }
0x173: {  	v45 =	vmul.f32 $1.442695020e+00, v51;
	v50 =	vadd.f32 v48, v44;
	(erf) = vpow2.f32 v54  }
0x174: {  	v42 =	vsub.f32 v42, v47;
	v49 =	vmul.f32 $1.442695020e+00, v49;
	(erf) = vpow2.f32 v20;
	v46 =	vpop (erf)  }
0x175: {  	v20 =	vmul.f32 $1.442695020e+00, v40;
	v40 =	vadd.f32 v50, v46;
	(erf) = vpow2.f32 v45  }
0x176: {  	v30 =	vsub.f32 v30, v47;
	v42 =	vmul.f32 $1.442695020e+00, v42;
	(erf) = vpow2.f32 v49;
	v48 =	vpop (erf)  }
0x177: {  	v32 =	vsub.f32 v32, v47;
	v40 =	vadd.f32 v40, v48;
	(erf) = vpow2.f32 v20  }
0x178: {  	v20 =	vmul.f32 $1.442695020e+00, v30;
	v30 =	vsub.f32 v33, v47;
	(erf) = vpow2.f32 v42;
	v49 =	vpop (erf)  }
0x179: {  	v32 =	vmul.f32 $1.442695020e+00, v32;
	v33 =	vsub.f32 v34, v47;
	v34 =	vadd.f32 v40, v49  }
0x17a: {  	v36 =	vsub.f32 v36, v47;
	v30 =	vmul.f32 $1.442695020e+00, v30;
	(erf) = vpow2.f32 v20;
	v50 =	vpop (erf)  }
0x17b: {  	v33 =	vmul.f32 $1.442695020e+00, v33;
	v34 =	vadd.f32 v34, v50;
	(erf) = vpow2.f32 v32  }
0x17c: {  	v32 =	vmul.f32 $1.442695020e+00, v36;
	v36 =	vsub.f32 v21, v47;
	(erf) = vpow2.f32 v30;
	v45 =	vpop (erf)  }
0x17d: {  	v26 =	vsub.f32 v26, v47;
	v30 =	vadd.f32 v34, v45;
	v20 =	vpop (erf);
	(erf) = vpow2.f32 v33  }
0x17e: {  	v40 =	vsub.f32 v22, v47;
	v33 =	vmul.f32 $1.442695020e+00, v36;
	(erf) = vpow2.f32 v32;
	v51 =	vpop (erf)  }
0x17f: {  	v25 =	vsub.f32 v25, v47;
	v26 =	vmul.f32 $1.442695020e+00, v26;
	v30 =	vadd.f32 v30, v51;
	v21 =	vpop (erf)  }
0x180: {  	v32 =	vmul.f32 $1.442695020e+00, v40;
	v34 =	vadd.f32 v21, v20;
	(erf) = vpow2.f32 v33;
	v36 =	vpop (erf)  }
0x181: {  	v33 =	vmul.f32 $1.442695020e+00, v25;
	v30 =	vadd.f32 v30, v36;
	v22 =	vpop (erf);
	(erf) = vpow2.f32 v26  }
0x182: {  	v16 =	vsub.f32 v16, v47;
	v40 =	vadd.f32 v34, v22;
	(erf) = vpow2.f32 v32  }
0x183: {  	v42 =	vsub.f32 v24, v47;
	v32 =	vsub.f32 v23, v47;
	v25 =	vpop (erf);
	(erf) = vrcp.f32 v30  }
0x184: {  	v54 =	vmul.f32 $1.442695020e+00, v16;
	v30 =	vadd.f32 v40, v25;
	v23 =	vpop (erf);
	(erf) = vpow2.f32 v33  }
0x185: {  	v14 =	vsub.f32 v14, v47;
	v34 =	vmul.f32 $1.442695020e+00, v42;
	v33 =	vmul.f32 $1.442695020e+00, v32;
	v26 =	vpop (erf)  }
0x186: {  	v32 =	vmul.f32 v15, v6;
	v30 =	vadd.f32 v30, v23;
	v24 =	vpop (erf);
	(erf) = vpow2.f32 v54  }
0x187: {  	v6 =	vmul.f32 $1.442695020e+00, v14;
	v40 =	vsel vm2, v35, v9;
	v16 =	vpop (erf);
	(erf) = vpow2.f32 v33  }
0x188: {  	v33 =	vadd.f32 v30, v26;
	(erf) = vpow2.f32 v34;
	v30 =	vsel vm3, v52, v53  }
0x189: {  	v14 =	vpop (erf);
	(erf) = vpow2.f32 v6;
	v30 =	vsel vm5, $0x7, v30;
	vm5 =	vgt.f32 v32, v40  }
0x18a: {  	v47 =	vsel vm3, $0x6, v52;
	v34 =	vadd.f32 v33, v24;
	v9 =	vpop (erf);
	v33 =	vsel vm2, v28, v35  }
0x18b: {  	v28 =	vsel vm4, v47, v30;
	v30 =	vsel vm5, v32, v40;
	v6 =	vpop (erf);
	vm3 =	vgt.f32 v32, v33  }
0x18c: {  	v34 =	vadd.f32 v34, v16;
	v52 =	vpop (erf);
	v35 =	vsel vm3, v33, v30;
	v30 =	vmul.f32 v15, v11  }
0x18d: {  	v40 =	vsel vm6, $0x8, v28;
	v53 =	vmul.f32 v52, v29;
	v54 =	vmul.f32 v52, v31;
	v11 =	vpop (erf)  }
0x18e: {  	v42 =	vadd.f32 v34, v14;
	v34 =	vsel vm4, $0x7, v47;
	vm4 =	vgt.f32 v30, v35  }
0x18f: {  	v36 =	vmul.f32 v52, v36;
	vm6 =	vgt.f32 v54, v53;
	vm7 =	vgt.f32 v54, $-1.000000000e+00;
	v31 =	vpop (erf)  }
0x190: {  	v55 =	vmul.f32 v52, v27;
	vm8 =	vmneg vm6;
	v57 =	vnsel vm7, $0xBF800000, v54;
	v29 =	vpop (erf)  }
0x191: {  	v47 =	vmul.f32 v52, v45;
	v45 =	vmul.f32 v52, v51;
	v56 =	vsel vm8, v57, v53;
	v28 =	vpop (erf)  }
0x192: {  	v50 =	vmul.f32 v52, v50;
	v51 =	vsel vm8, v53, v54;
	vm10 =	vgt.f32 v55, v56;
	v27 =	vpop (erf)  }
0x193: {  	v39 =	vmul.f32 v52, v39;
	vm9 =	vgt.f32 v55, v51;
	v53 =	vsel vm10, v55, v56  }
0x194: {  	v48 =	vmul.f32 v52, v48;
	v49 =	vmul.f32 v52, v49;
	v53 =	vsel vm9, v51, v53  }
0x195: {  	v46 =	vmul.f32 v52, v46;
	v51 =	vsel vm9, v55, v51;
	vm13 =	vgt.f32 v39, v53  }
0x196: {  	v38 =	vmul.f32 v52, v38;
	vm11 =	vgt.f32 v39, v51;
	v53 =	vsel vm13, v39, v53  }
0x197: {  	v43 =	vmul.f32 v52, v43;
	v44 =	vmul.f32 v52, v44;
	v53 =	vsel vm11, v51, v53  }
0x198: {  	v41 =	vmul.f32 v52, v41;
	v39 =	vsel vm11, v39, v51;
	vm14 =	vgt.f32 v38, v53  }
0x199: {  	v37 =	vmul.f32 v52, v37;
	vm12 =	vgt.f32 v38, v39;
	v51 =	vsel vm14, v38, v53  }
0x19a: {  	v52 =	vsel vm6, $0x1, v1;
	vm7 =	vmand vm8, vm7;
	v51 =	vsel vm12, v39, v51  }
0x19b: {  	v53 =	vsel vm7, $0x1, v1;
	v38 =	vsel vm12, v38, v39;
	vm15 =	vgt.f32 v37, v51  }
0x19c: {  	v39 =	vsel vm10, $0x2, v53;
	vm6 =	vgt.f32 v37, v38;
	v51 =	vsel vm15, v37, v51  }
0x19d: {  	v39 =	vsel vm9, v52, v39;
	v52 =	vsel vm9, $0x2, v52;
	v51 =	vsel vm6, v38, v51  }
0x19e: {  	v53 =	vsel vm11, $0x3, v52;
	v37 =	vsel vm6, v37, v38;
	vm9 =	vgt.f32 v41, v51  }
0x19f: {  	v38 =	vsel vm13, $0x3, v39;
	vm7 =	vgt.f32 v41, v37;
	v39 =	vsel vm9, v41, v51  }
0x1a0: {  	v38 =	vsel vm11, v52, v38;
	v51 =	vsel vm12, $0x4, v53;
	v39 =	vsel vm7, v37, v39  }
0x1a1: {  	v52 =	vsel vm6, $0x5, v51;
	v37 =	vsel vm7, v41, v37;
	vm10 =	vgt.f32 v43, v39  }
0x1a2: {  	v38 =	vsel vm14, $0x4, v38;
	vm8 =	vgt.f32 v43, v37;
	v39 =	vsel vm10, v43, v39  }
0x1a3: {  	v38 =	vsel vm12, v53, v38;
	v41 =	vsel vm7, $0x6, v52;
	v39 =	vsel vm8, v37, v39  }
0x1a4: {  	v38 =	vsel vm15, $0x5, v38;
	v37 =	vsel vm8, v43, v37;
	vm11 =	vgt.f32 v44, v39  }
0x1a5: {  	v43 =	vsel vm8, $0x7, v41;
	vm12 =	vgt.f32 v44, v37;
	v39 =	vsel vm11, v44, v39  }
0x1a6: {  	v38 =	vsel vm6, v51, v38;
	v51 =	vsel vm12, $0x8, v43;
	v39 =	vsel vm12, v37, v39  }
0x1a7: {  	v38 =	vsel vm9, $0x6, v38;
	v37 =	vsel vm12, v44, v37;
	vm6 =	vgt.f32 v46, v39  }
0x1a8: {  	v38 =	vsel vm7, v52, v38;
	vm7 =	vgt.f32 v46, v37;
	v39 =	vsel vm6, v46, v39  }
0x1a9: {  	v44 =	vsel vm7, $0x9, v51;
	v39 =	vsel vm7, v37, v39;
	v37 =	vsel vm7, v46, v37  }
0x1aa: {  	v38 =	vsel vm10, $0x7, v38;
	vm9 =	vgt.f32 v48, v37;
	vm10 =	vgt.f32 v48, v39  }
0x1ab: {  	v38 =	vsel vm8, v41, v38;
	v39 =	vsel vm10, v48, v39;
	v41 =	vsel vm9, $0xA, v44  }
0x1ac: {  	v38 =	vsel vm11, $0x8, v38;
	v39 =	vsel vm9, v37, v39;
	v37 =	vsel vm9, v48, v37  }
0x1ad: {  	v38 =	vsel vm12, v43, v38;
	vm8 =	vgt.f32 v49, v37;
	vm11 =	vgt.f32 v49, v39  }
0x1ae: {  	v38 =	vsel vm6, $0x9, v38;
	v39 =	vsel vm11, v49, v39;
	v43 =	vsel vm8, $0xB, v41  }
0x1af: {  	s11 =	sadd.s32 $0x1000, s11;
	v38 =	vsel vm7, v51, v38;
	v39 =	vsel vm8, v37, v39;
	v37 =	vsel vm8, v49, v37  }
0x1b0: {  	v38 =	vsel vm10, $0xA, v38;
	vm6 =	vgt.f32 v50, v37;
	vm7 =	vgt.f32 v50, v39;
	[tilespmem:s11+$0x0] =	vst v2  }
0x1b1: {  	v38 =	vsel vm9, v44, v38;
	v39 =	vsel vm7, v50, v39;
	v44 =	vsel vm6, $0xC, v43;
	[tilespmem:s11+$0x80] =	vst v2  }
0x1b2: {  	v38 =	vsel vm11, $0xB, v38;
	v39 =	vsel vm6, v37, v39;
	v37 =	vsel vm6, v50, v37;
	[tilespmem:s11+$0x100] =	vst v2  }
0x1b3: {  	v38 =	vsel vm8, v41, v38;
	vm8 =	vgt.f32 v47, v37;
	vm9 =	vgt.f32 v47, v39;
	[tilespmem:s11+$0x180] =	vst v2  }
0x1b4: {  	v38 =	vsel vm7, $0xC, v38;
	v39 =	vsel vm9, v47, v39;
	v41 =	vsel vm8, $0xD, v44;
	[tilespmem:s11+$0x200] =	vst v2  }
0x1b5: {  	v38 =	vsel vm6, v43, v38;
	v39 =	vsel vm8, v37, v39;
	v37 =	vsel vm8, v47, v37;
	[tilespmem:s11+$0x280] =	vst v2  }
0x1b6: {  	v38 =	vsel vm9, $0xD, v38;
	vm6 =	vgt.f32 v45, v37;
	vm7 =	vgt.f32 v45, v39;
	[tilespmem:s11+$0x300] =	vst v2  }
0x1b7: {  	v38 =	vsel vm8, v44, v38;
	v39 =	vsel vm7, v45, v39;
	v43 =	vsel vm6, $0xE, v41;
	[tilespmem:s11+$0x380] =	vst v2  }
0x1b8: {  	v38 =	vsel vm7, $0xE, v38;
	v39 =	vsel vm6, v37, v39;
	v37 =	vsel vm6, v45, v37;
	[tilespmem:s11+$0x400] =	vst v2  }
0x1b9: {  	v38 =	vsel vm6, v41, v38;
	vm6 =	vgt.f32 v36, v37;
	vm7 =	vgt.f32 v36, v39;
	[tilespmem:s11+$0x480] =	vst v2  }
0x1ba: {  	v41 =	vadd.f32 v42, v9;
	v38 =	vsel vm7, $0xF, v38;
	v42 =	vsel vm6, $0xF, v43;
	[tilespmem:s11+$0x500] =	vst v2  }
0x1bb: {  	v40 =	vsel vm0, v34, v40;
	v38 =	vsel vm6, v43, v38;
	[tilespmem:s11+$0x580] =	vst v2;
	v43 =	vor.u32 v19, v42  }
0x1bc: {  	v32 =	vsel vm3, v32, v33;
	v41 =	vadd.f32 v41, v6;
	[tilespmem:s11+$0x600] =	vst v2;
	v19 =	vor.u32 v19, v38  }
0x1bd: {  	v18 =	vshll.u32 v18, $0x1;
	v35 =	vsel vm4, v30, v35;
	v33 =	vsel vm1, $0x9, v40;
	[tilespmem:s11+$0x680] =	vst v2  }
0x1be: {  	vm1 =	vgt.f32 v30, v32;
	v40 =	vadd.f32 v41, v11;
	v41 =	vor.u32 $0x1, v18;
	[tilespmem:s11+$0x700] =	vst v2  }
0x1bf: {  	v34 =	vsel vm0, $0x8, v34;
	v39 =	vsel vm7, v36, v39;
	v36 =	vsel vm6, v36, v37;
	[tilespmem:s11+$0x780] =	vst v2  }
0x1c0: {  	v37 =	vsel vm6, v37, v39;
	v40 =	vadd.f32 v40, v31;
	[tilespmem:v43+s8+$0x0] =	vst.idx.msk $0xffff, v36;
	v36 =	vsel vm2, $0x9, v34  }
0x1c1: {  	v35 =	vsel vm1, v32, v35;
	[tilespmem:v19+s8+$0x0] =	vst.idx.msk $0xffff, v37;
	v19 =	vsel vm3, $0xA, v36;
	v37 =	vmul.f32 v15, v13  }
0x1c2: {  	v39 =	vadd.f32 v40, v29;
	[tilespmem:v18+s9+$0x0] =	vst.idx.msk $0xffff, v42;
	v18 =	vsel vm2, v34, v33;
	v33 =	vsel vm1, $0xB, v19  }
0x1c3: {  	v30 =	vsel vm1, v30, v32;
	[tilespmem:v41+s9+$0x0] =	vst.idx.msk $0xffff, v38;
	v18 =	vsel vm5, $0xA, v18;
	vm0 =	vgt.f32 v37, v35  }
0x1c4: {  	v32 =	vadd.f32 v39, v28;
	[tilespmem:s11+$0xFFFFF800] =	vst v2;
	v36 =	vsel vm3, v36, v18;
	v18 =	vsel vm0, v37, v35  }
0x1c5: {  	v13 =	vmovc v31;
	vm2 =	vgt.f32 v37, v30;
	v35 =	vmul.f32 v15, v12;
	[tilespmem:s11+$0xFFFFF880] =	vst v2;
	v34 =	vsel vm4, $0xB, v36  }
0x1c6: {  	v31 =	vadd.f32 v32, v27;
	v18 =	vsel vm2, v30, v18;
	[tilespmem:s11+$0xFFFFF900] =	vst v2;
	v32 =	vsel vm1, v19, v34  }
0x1c7: {  	v12 =	vmovc v29;
	v30 =	vsel vm2, v37, v30;
	[tilespmem:s11+$0xFFFFF980] =	vst v2;
	v19 =	vsel vm0, $0xC, v32;
	vm0 =	vgt.f32 v35, v18  }
0x1c8: {  	vm1 =	vgt.f32 v35, v30;
	[tilespmem:s11+$0xFFFFFA00] =	vst v2;
	(erf) = vrcp.f32 v31;
	v18 =	vsel vm0, v35, v18  }
0x1c9: {  	v29 =	vmul.f32 v15, v10;
	v19 =	vsel vm2, v33, v19;
	[tilespmem:s11+$0xFFFFFA80] =	vst v2;
	v18 =	vsel vm1, v30, v18  }
0x1ca: {  	v10 =	vmovc v28;
	v31 =	vsel vm2, $0xC, v33;
	v19 =	vsel vm0, $0xD, v19;
	v30 =	vsel vm1, v35, v30;
	[tilespmem:s11+$0xFFFFFB00] =	vst v2  }
0x1cb: {  	v19 =	vsel vm1, v31, v19;
	vm0 =	vgt.f32 v29, v30;
	vm2 =	vgt.f32 v29, v18;
	[tilespmem:s11+$0xFFFFFB80] =	vst v2  }
0x1cc: {  	v28 =	vmul.f32 v15, v8;
	v8 =	vmovc v27;
	v19 =	vsel vm2, $0xE, v19;
	v18 =	vsel vm2, v29, v18;
	[tilespmem:s11+$0xFFFFFC00] =	vst v2  }
0x1cd: {  	v15 =	vsel vm1, $0xD, v31;
	v27 =	vsel vm0, v29, v30;
	v18 =	vsel vm0, v30, v18;
	[tilespmem:s11+$0xFFFFFC80] =	vst v2  }
0x1ce: {  	v19 =	vsel vm0, v15, v19;
	vm1 =	vgt.f32 v28, v27;
	vm2 =	vgt.f32 v28, v18;
	[tilespmem:s11+$0xFFFFFD00] =	vst v2  }
0x1cf: {  	v29 =	vsel vm0, $0xE, v15;
	v19 =	vsel vm2, $0xF, v19;
	v18 =	vsel vm2, v28, v18;
	[tilespmem:s11+$0xFFFFFD80] =	vst v2  }
0x1d0: {  	v34 =	vshll.u32 v17, $0x1;
	v36 =	vsel vm1, $0xF, v29;
	v35 =	vsel vm1, v29, v19;
	[tilespmem:s11+$0xFFFFFE00] =	vst v2  }
0x1d1: {  	v19 =	vsel vm1, v27, v18;
	v18 =	vor.u32 v3, v36;
	v37 =	vor.u32 v3, v35;
	[tilespmem:s11+$0xFFFFFE80] =	vst v2;
	v15 =	vpop (erf)  }
.Ltmp0:
0x1d2: {  	v27 =	vsel vm1, v28, v27;
	v17 =	vmul.f32 v15, v20;
	v21 =	vmul.f32 v15, v21;
	[tilespmem:s11+$0xFFFFFF00] =	vst v2;
	(pc) =	sbr.rel @p0 .LBB2_2-.Ltmp0, $4  }
0x1d3: {  	v3 =	vmovc v7;
	v38 =	vmul.f32 v15, v22;
	v29 =	vmul.f32 v15, v25;
	v20 =	vor.u32 $0x1, v34;
	[tilespmem:s11+$0xFFFFFF80] =	vst v2  }
0x1d4: {  	v25 =	vmul.f32 v15, v23;
	vm0 =	vgt.f32 v21, v17;
	vm1 =	vgt.f32 v21, $-1.000000000e+00  }
0x1d5: {  	v22 =	vmul.f32 v15, v26;
	vm2 =	vmneg vm0;
	v7 =	vnsel vm1, $0xBF800000, v21  }
0x1d6: {  	s13 =	sadd.s32 $0x20, s13;
	v23 =	vsel vm2, v7, v17;
	v26 =	vsel vm2, v17, v21;
	v21 =	vmul.f32 v15, v24  }
0x1d7: {  	vm8 =	vgt.f32 v38, v23  }
0x1d8: {  	vm7 =	vgt.f32 v38, v26;
	v7 =	vsel vm8, v38, v23  }
0x1d9: {  	v7 =	vsel vm7, v26, v7  }
0x1da: {  	vm11 =	vmand vm2, vm1;
	v17 =	vsel vm7, v38, v26;
	vm9 =	vgt.f32 v29, v7  }
0x1db: {  	v16 =	vmul.f32 v15, v16;
	vm5 =	vgt.f32 v29, v17;
	v7 =	vsel vm9, v29, v7  }
0x1dc: {  	v46 =	vsel vm0, $0x1, v1;
	v14 =	vmul.f32 v15, v14;
	v7 =	vsel vm5, v17, v7  }
0x1dd: {  	v9 =	vmul.f32 v15, v9;
	v17 =	vsel vm5, v29, v17;
	vm10 =	vgt.f32 v25, v7  }
0x1de: {  	v6 =	vmul.f32 v15, v6;
	vm4 =	vgt.f32 v25, v17;
	v7 =	vsel vm10, v25, v7  }
0x1df: {  	v11 =	vmul.f32 v15, v11;
	v13 =	vmul.f32 v15, v13;
	v7 =	vsel vm4, v17, v7  }
0x1e0: {  	v57 =	vmul.f32 v15, v12;
	v17 =	vsel vm4, v25, v17;
	vm6 =	vgt.f32 v22, v7  }
0x1e1: {  	v10 =	vmul.f32 v15, v10;
	vm3 =	vgt.f32 v22, v17;
	v7 =	vsel vm6, v22, v7  }
0x1e2: {  	v8 =	vmul.f32 v15, v8;
	v45 =	vsel vm11, $0x1, v1;
	v7 =	vsel vm3, v17, v7  }
0x1e3: {  	v17 =	vsel vm3, v22, v17;
	v22 =	vsel vm8, $0x2, v45;
	vm2 =	vgt.f32 v21, v7  }
0x1e4: {  	vm12 =	vgt.f32 v21, v17;
	v22 =	vsel vm7, v46, v22;
	v7 =	vsel vm2, v21, v7  }
0x1e5: {  	v47 =	vsel vm7, $0x2, v46;
	v22 =	vsel vm9, $0x3, v22;
	v7 =	vsel vm12, v17, v7  }
0x1e6: {  	v17 =	vsel vm12, v21, v17;
	v22 =	vsel vm5, v47, v22;
	vm13 =	vgt.f32 v16, v7  }
0x1e7: {  	v21 =	vsel vm5, $0x3, v47;
	vm14 =	vgt.f32 v16, v17;
	v7 =	vsel vm13, v16, v7  }
0x1e8: {  	v48 =	vsel vm10, $0x4, v22;
	v16 =	vsel vm14, v16, v17;
	v7 =	vsel vm14, v17, v7  }
0x1e9: {  	v17 =	vsel vm4, v21, v48;
	vm9 =	vgt.f32 v14, v16;
	v21 =	vsel vm4, $0x4, v21  }
0x1ea: {  	vm15 =	vgt.f32 v14, v7;
	v17 =	vsel vm6, $0x5, v17;
	v50 =	vsel vm3, $0x5, v21  }
0x1eb: {  	v7 =	vsel vm15, v14, v7;
	v14 =	vsel vm9, v14, v16;
	v49 =	vsel vm3, v21, v17  }
0x1ec: {  	v17 =	vsel vm12, $0x6, v50;
	v7 =	vsel vm9, v16, v7;
	v16 =	vsel vm2, $0x6, v49  }
0x1ed: {  	vm11 =	vgt.f32 v9, v14;
	v52 =	vsel vm14, $0x7, v17;
	vm10 =	vgt.f32 v9, v7  }
0x1ee: {  	v16 =	vsel vm12, v50, v16;
	v54 =	vsel vm9, $0x8, v52;
	v7 =	vsel vm10, v9, v7  }
0x1ef: {  	v16 =	vsel vm13, $0x7, v16;
	v9 =	vsel vm11, v9, v14;
	v7 =	vsel vm11, v14, v7  }
0x1f0: {  	v51 =	vsel vm14, v17, v16;
	vm13 =	vgt.f32 v6, v9;
	vm12 =	vgt.f32 v6, v7  }
0x1f1: {  	v16 =	vsel vm11, $0x9, v54;
	v14 =	vsel vm15, $0x8, v51;
	v7 =	vsel vm12, v6, v7  }
0x1f2: {  	v55 =	vsel vm13, $0xA, v16;
	v14 =	vsel vm9, v52, v14;
	v7 =	vsel vm13, v9, v7  }
0x1f3: {  	v6 =	vsel vm13, v6, v9;
	v53 =	vsel vm10, $0x9, v14;
	vm14 =	vgt.f32 v11, v7  }
0x1f4: {  	vm15 =	vgt.f32 v11, v6;
	v9 =	vsel vm11, v54, v53;
	v7 =	vsel vm14, v11, v7  }
0x1f5: {  	v56 =	vsel vm15, $0xB, v55;
	v9 =	vsel vm12, $0xA, v9;
	v7 =	vsel vm15, v6, v7  }
0x1f6: {  	v6 =	vsel vm15, v11, v6;
	v9 =	vsel vm13, v16, v9;
	vm8 =	vgt.f32 v13, v7  }
0x1f7: {  	v9 =	vsel vm14, $0xB, v9;
	vm9 =	vgt.f32 v13, v6;
	v7 =	vsel vm8, v13, v7  }
0x1f8: {  	v9 =	vsel vm15, v55, v9;
	v58 =	vsel vm9, $0xC, v56;
	v7 =	vsel vm9, v6, v7  }
0x1f9: {  	v6 =	vsel vm9, v13, v6;
	v9 =	vsel vm8, $0xC, v9;
	vm10 =	vgt.f32 v57, v7  }
0x1fa: {  	vm11 =	vgt.f32 v57, v6;
	v9 =	vsel vm9, v56, v9;
	v7 =	vsel vm10, v57, v7  }
0x1fb: {  	v9 =	vsel vm10, $0xD, v9;
	v59 =	vsel vm11, $0xD, v58;
	v7 =	vsel vm11, v6, v7  }
0x1fc: {  	v6 =	vsel vm11, v57, v6;
	v9 =	vsel vm11, v58, v9;
	vm12 =	vgt.f32 v10, v7  }
0x1fd: {  	vm13 =	vgt.f32 v10, v6;
	v9 =	vsel vm12, $0xE, v9;
	v7 =	vsel vm12, v10, v7  }
0x1fe: {  	v60 =	vsel vm13, $0xE, v59;
	v7 =	vsel vm13, v6, v7;
	v6 =	vsel vm13, v10, v6  }
0x1ff: {  	v9 =	vsel vm13, v59, v9;
	vm14 =	vgt.f32 v8, v6;
	vm15 =	vgt.f32 v8, v7  }
0x200: {  	v9 =	vsel vm15, $0xF, v9;
	v11 =	vsel vm14, $0xF, v60  }
0x201: {  	v9 =	vsel vm14, v60, v9;
	v61 =	vor.u32 v3, v11  }
0x202: {  	[tilespmem:v18+s8+$0x0] =	vst.idx.msk $0xffff, v27;
	v3 =	vor.u32 v3, v9  }
0x203: {  	[tilespmem:v37+s8+$0x0] =	vst.idx.msk $0xffff, v19  }
0x204: {  	[tilespmem:v4+s9+$0x0] =	vst.idx.msk $0xffff, v36  }
0x205: {  	[tilespmem:v5+s9+$0x0] =	vst.idx.msk $0xffff, v35;
	v62 =	vsel vm15, v8, v7;
	v63 =	vsel vm14, v8, v6  }
0x206: {  	v4 =	vsel vm14, v6, v62;
	[tilespmem:v61+s8+$0x0] =	vst.idx.msk $0xffff, v63  }
0x207: {  	[tilespmem:v3+s8+$0x0] =	vst.idx.msk $0xffff, v4  }
0x208: {  	[tilespmem:v34+s9+$0x0] =	vst.idx.msk $0xffff, v11  }
0x209: {  	[tilespmem:v20+s9+$0x0] =	vst.idx.msk $0xffff, v9  }
0x20a: {  	[hbm4b:s4+s2] =	stream.linear.scatter [tilespmem:s8], [sflag:$0x1], $0x8000, $0x38;
	[tilespmem:$0x10200] =	vst v63  }
0x20b: {  	s10 =	sadd.s32 $0x1, s10;
	_ =	swait.ge [sflag:s7], $0x8000  }
0x20c: {  	p0 =	sne.s32 s10, s6;
	[sflag:s7] =	ssyncset.done $0x0  }
.Ltmp1:
0x20d: {  	[sflag:s7] =	ssyncadd.s32 $0xFFFF8000;
	(pc) =	sbr.rel @p0 .LBB2_1-.Ltmp1, $4  }
0x20e: {  	[hbm4b:s5+s2] =	stream.linear.scatter [tilespmem:s9], [sflag:$0x1], $0x200, $0x38;
	[tilespmem:$0x10200] =	vst v63  }
0x20f: {  	_ =	swait.ge [sflag:s7], $0x200  }
0x210: {  	[sflag:s7] =	ssyncset.done $0x0  }
0x211: {  	[sflag:s7] =	ssyncadd.s32 $0xFFFFFE00  }
0x212: {  	_ =	sfence.sel $0x180000  }
0x213: {  	[bflag:$0x0] =	sbarrier.arrive $0xFFFF  }
0x214: {  	p0 =	sne.s32 s1, $0x0;
	_ =	strace $0x90000047  }
0x215: {  	s0 =	sadd.s32 @!p0 $0x100000, s0;
	[bflag:$0x2] =	sbarrier.arrive $0xFFFF  }
0x216: {  	[sflag:s0] =	ssyncadd.tile.s32 @!p0 $0x1;
	_ =	shalt  }
.Lfunc_end2:
_tile_overlayer_lowered:
.L_overlay_start_2:
0x217: {  	(tag) =	ssettag $0x2  }
0x218: {  	s0 =	rddreg [dreg:$0x0];
	s2 =	stileid.u32  }
0x219: {  	s1 =	rddreg [dreg:$0x1];
	p0 =	sne.s32 s2, $0x0  }
0x21a: {  	s3 =	rddreg [dreg:$0x2];
	[bflag:$0x3] =	sbarrier.arrive $0xFFFF;
	s2 =	simm.s32 @!p0 $0x1C01  }
0x21b: {  	[timem:s3], [sflag:s2] =	dma.local @!p0 [hbm:s0], s1  }
0x21c: {  	s0 =	simm.s32 @!p0 $0x1  }
0x21d: {  	_ =	swait.ge @!p0 [sflag:s0], s1  }
0x21e: {  	s1 =	ssub.s32 @!p0 $0x0, s1;
	[sflag:s0] =	ssyncset.done @!p0 $0x0  }
0x21f: {  	[sflag:s0] =	ssyncadd.s32 @!p0 s1  }
0x220: {  	[bflag:$0x3] =	sbarrier.arrive $0xFFFF  }
0x221: {  	_ =	shalt  }

</sc_bundles>
